<compile_context>
chip_gen: v7x
topology: tpu7x:2x2x1
jax: 0.10.2.dev20260603
libtpu: 0.0.44.dev20260713+nightly
codegen_flags: <defaults>
</compile_context>

<pallas_src>
import functools

import jax
import jax.numpy as jnp
from jax import lax
from jax.experimental import pallas as pl
from jax.experimental.pallas import tpu as pltpu
from jax.experimental.pallas import tpu_sc as plsc

D = 64
NB, NS_SEQ = 16384, 50
NC, NS = 2, 16
NW = NC * NS
N_SUB = 4
S_PIECES = 1


def _make_kernel(ns_p):
  sub_b = 1
  while 2 * sub_b * ns_p <= 128:
    sub_b *= 2
  sub = sub_b * ns_p
  chunk = sub * N_SUB
  b_chunk = N_SUB * sub_b
  bp = NB * ns_p
  b_per_w = bp // NW
  idx_rows = b_per_w // sub
  n_chunks = b_per_w // chunk
  assert b_per_w % chunk == 0 and n_chunks % 2 == 0
  t_iters = n_chunks // 2

  mesh = plsc.VectorSubcoreMesh(core_axis_name="c", subcore_axis_name="s")

  @functools.partial(
      pl.kernel,
      mesh=mesh,
      compiler_params=pltpu.CompilerParams(use_tc_tiling_on_sc=False),
      out_type=jax.ShapeDtypeStruct((NB, ns_p, D), jnp.float32),
      scratch_types=[
          pltpu.VMEM((idx_rows, sub), jnp.int32),
          pltpu.VMEM((2, N_SUB, sub, D), jnp.float32),
          pltpu.SemaphoreType.DMA,
          pltpu.SemaphoreType.DMA,
          pltpu.SemaphoreType.DMA,
          pltpu.SemaphoreType.DMA,
      ],
  )
  def k(idx_hbm, table_hbm, out_hbm, idx_v, rows_v, sg0, sg1, sw0, sw1):
    wid = lax.axis_index("s") * NC + lax.axis_index("c")
    b_base = wid * (b_per_w // ns_p)
    pltpu.sync_copy(idx_hbm.at[pl.ds(wid * idx_rows, idx_rows)], idx_v)
    sg = (sg0, sg1)
    sw = (sw0, sw1)

    def fire(buf, c):
      for j in range(N_SUB):
        pltpu.async_copy(table_hbm.at[idx_v.at[c * N_SUB + j]],
                         rows_v.at[buf, j], sg[buf])

    def wait_gathers(buf):
      for j in range(N_SUB):
        pltpu.make_async_copy(table_hbm.at[idx_v.at[j]],
                              rows_v.at[buf, j], sg[buf]).wait()

    def write(buf, c):
      b0 = b_base + c * b_chunk
      for j in range(N_SUB):
        for kk in range(sub_b):
          pltpu.async_copy(
              rows_v.at[buf, j, pl.ds(kk * ns_p, ns_p)],
              out_hbm.at[b0 + j * sub_b + kk], sw[buf])

    def wait_write(buf):
      for j in range(N_SUB):
        for kk in range(sub_b):
          pltpu.make_async_copy(
              rows_v.at[buf, j, pl.ds(kk * ns_p, ns_p)],
              out_hbm.at[b_base + j * sub_b + kk], sw[buf]).wait()

    fire(0, 0)
    fire(1, 1)

    def body(t, carry):
      c0 = 2 * t
      c1 = c0 + 1
      wait_gathers(0)
      write(0, c0)
      wait_gathers(1)
      write(1, c1)
      wait_write(0)

      @pl.when(t < t_iters - 1)
      def _():
        fire(0, c0 + 2)

      wait_write(1)

      @pl.when(t < t_iters - 1)
      def _():
        fire(1, c1 + 2)

      return carry

    lax.fori_loop(0, t_iters, body, 0)

  return k, sub


_NS_P = NS_SEQ // S_PIECES
_gather_call, _SUB = _make_kernel(_NS_P)


@jax.jit
def kernel(inputs, weight):
  wlin = jnp.pad(weight, ((0, 0), (0, D))).reshape(2 * weight.shape[0], D)
  idx2 = inputs.astype(jnp.int32) * 2
  outs = []
  for p in range(S_PIECES):
    sl = idx2[:, p * _NS_P:(p + 1) * _NS_P]
    idx = sl.reshape(-1).reshape(NB * _NS_P // _SUB, _SUB)
    outs.append(_gather_call(idx, wlin))
  return jnp.concatenate(outs, axis=1)

# --- scband reference (transcript-rebuilt; emitter-appended) ---
"""Pipeline reference for scband-embedding-85873576116719 (READ-ONLY COPY).

The authoritative reference and input builder live on the scoring server;
editing this copy changes nothing except your own understanding.
"""

import jax, jax.numpy as jnp
import numpy as np
from math import sqrt

N_SYMBOLS = 1000000
EMBED_DIM = 64

def setup_inputs(seed: int = 0) -> dict:
    key = jax.random.key(seed)
    k1, k2 = jax.random.split(key)
    inputs = jax.random.randint(k1, (16384, 50), 0, N_SYMBOLS, dtype=jnp.int64 if jax.config.jax_enable_x64 else jnp.int32)
    val = 1.0 / sqrt(EMBED_DIM)
    weight = jax.random.uniform(k2, (N_SYMBOLS, EMBED_DIM), dtype=jnp.float32, minval=-val, maxval=val)
    return {"inputs": inputs, "weight": weight}

def reference(inputs, weight):
    # nn.Embedding forward: gather rows of the table
    return jnp.take(weight, inputs, axis=0)

if __name__ == "__main__":
    import jax
    _d = setup_inputs()
    print(jax.jit(kernel)(*tuple(_d.values())))

</pallas_src>

<mosaic_0001>
#map = affine_map<(d0, d1) -> (0, 0)>
#map1 = affine_map<(d0, d1) -> (0, 0, 0)>
module attributes {stable_mosaic.version = 14 : i64} {
  func.func @k(%arg0: i32, %arg1: i32, %arg2: memref<8192x100xi32, #tpu.memory_space<hbm>>, %arg3: memref<2000000x64xf32, #tpu.memory_space<hbm>>, %arg4: memref<16384x50x64xf32, #tpu.memory_space<hbm>>, %arg5: memref<256x100xi32, #tpu.memory_space<vmem>>, %arg6: memref<2x4x100x64xf32, #tpu.memory_space<vmem>>, %arg7: memref<!tpu.dma_semaphore, #tpu.memory_space<semaphore_mem>>, %arg8: memref<!tpu.dma_semaphore, #tpu.memory_space<semaphore_mem>>, %arg9: memref<!tpu.dma_semaphore, #tpu.memory_space<semaphore_mem>>, %arg10: memref<!tpu.dma_semaphore, #tpu.memory_space<semaphore_mem>>) attributes {dimension_semantics = [#tpu.dimension_semantics<core_parallel>, #tpu.dimension_semantics<subcore_parallel>], iteration_bounds = array<i64: 2, 16>, scalar_prefetch = 0 : i64, scratch_operands = 6 : i64, tpu.core_type = #tpu.core_type<sc_vector_subcore>, window_params = [{transform_indices = #map}, {transform_indices = #map}, {transform_indices = #map1}]} {
    %mul3A = arith.constant 2 : i32
    %mul3A_0 = arith.muli %arg1, %mul3A : i32
    %add3A = arith.addi %mul3A_0, %arg0 : i32
    %mul3A_1 = arith.constant 512 : i32
    %mul3A_2 = arith.muli %add3A, %mul3A_1 : i32
    %mul3A_3 = arith.constant 256 : i32
    %mul3A_4 = arith.muli %add3A, %mul3A_3 : i32
    "tpu.region"() ({
      %run_scoped3A = tpu.sem_alloc : memref<!tpu.dma_semaphore, #tpu.memory_space<semaphore_mem>>
      %dma_start3A_113 = arith.constant 0 : i32
      %dma_start3A_114 = tpu.memref_slice %arg2[%mul3A_4, %dma_start3A_113] : memref<8192x100xi32, #tpu.memory_space<hbm>> -> memref<256x100xi32, #tpu.memory_space<hbm>>
      %dma_start3A_115 = arith.constant 0 : i32
      %dma_start3A_116 = tpu.memref_slice %arg2[%mul3A_4, %dma_start3A_115] : memref<8192x100xi32, #tpu.memory_space<hbm>> -> memref<256x100xi32, #tpu.memory_space<hbm>>
      tpu.enqueue_dma source(%dma_start3A_116 : memref<256x100xi32, #tpu.memory_space<hbm>>) target(%arg5 : memref<256x100xi32, #tpu.memory_space<vmem>>) target_semaphore(%run_scoped3A : memref<!tpu.dma_semaphore, #tpu.memory_space<semaphore_mem>>)
      %dma_wait3A = arith.constant 0 : i32
      %dma_wait3A_117 = tpu.memref_slice %arg2[%mul3A_4, %dma_wait3A] : memref<8192x100xi32, #tpu.memory_space<hbm>> -> memref<256x100xi32, #tpu.memory_space<hbm>>
      %dma_wait3A_118 = arith.constant 0 : i32
      %dma_wait3A_119 = tpu.memref_slice %arg2[%mul3A_4, %dma_wait3A_118] : memref<8192x100xi32, #tpu.memory_space<hbm>> -> memref<256x100xi32, #tpu.memory_space<hbm>>
      tpu.wait_dma2 semaphore(%run_scoped3A : memref<!tpu.dma_semaphore, #tpu.memory_space<semaphore_mem>>) src(%dma_wait3A_119 : memref<256x100xi32, #tpu.memory_space<hbm>>) dst(%arg5 : memref<256x100xi32, #tpu.memory_space<vmem>>)
      tpu.yield
    }) : () -> ()
    %dma_start3A = arith.constant 0 : i32
    %dma_start3A_5 = arith.constant 0 : i32
    %dma_start3A_6 = arith.constant 0 : i32
    %dma_start3A_7 = arith.constant 0 : i32
    %dma_start3A_8 = arith.constant 0 : i32
    %dma_start3A_9 = tpu.memref_slice %arg6[%dma_start3A_5, %dma_start3A_6, %dma_start3A_7, %dma_start3A_8] : memref<2x4x100x64xf32, #tpu.memory_space<vmem>> -> memref<1x1x100x64xf32, #tpu.memory_space<vmem>>
    %dma_start3A_10 = tpu.memref_squeeze %dma_start3A_9 : memref<1x1x100x64xf32, #tpu.memory_space<vmem>> -> memref<100x64xf32, #tpu.memory_space<vmem>>
    %dma_start3A_11 = arith.constant 0 : i32
    %dma_start3A_12 = tpu.memref_slice %arg5[%dma_start3A, %dma_start3A_11] : memref<256x100xi32, #tpu.memory_space<vmem>> -> memref<1x100xi32, #tpu.memory_space<vmem>>
    %dma_start3A_13 = tpu.memref_squeeze %dma_start3A_12 : memref<1x100xi32, #tpu.memory_space<vmem>> -> memref<100xi32, #tpu.memory_space<vmem>>
    %dma_start3A_14 = arith.constant 0 : i32
    %dma_start3A_15 = arith.constant 0 : i32
    %dma_start3A_16 = tpu.memref_slice %arg3[%dma_start3A_14, %dma_start3A_15] : memref<2000000x64xf32, #tpu.memory_space<hbm>> -> memref<2000000x64xf32, #tpu.memory_space<hbm>>
    tpu.enqueue_indirect_dma source(%dma_start3A_16 : memref<2000000x64xf32, #tpu.memory_space<hbm>>) target(%dma_start3A_10 : memref<100x64xf32, #tpu.memory_space<vmem>>) offsets(%dma_start3A_13 : memref<100xi32, #tpu.memory_space<vmem>>) semaphore(%arg7 : memref<!tpu.dma_semaphore, #tpu.memory_space<semaphore_mem>>)
    %dma_start3A_17 = arith.constant 1 : i32
    %dma_start3A_18 = arith.constant 0 : i32
    %dma_start3A_19 = arith.constant 1 : i32
    %dma_start3A_20 = arith.constant 0 : i32
    %dma_start3A_21 = arith.constant 0 : i32
    %dma_start3A_22 = tpu.memref_slice %arg6[%dma_start3A_18, %dma_start3A_19, %dma_start3A_20, %dma_start3A_21] : memref<2x4x100x64xf32, #tpu.memory_space<vmem>> -> memref<1x1x100x64xf32, #tpu.memory_space<vmem>>
    %dma_start3A_23 = tpu.memref_squeeze %dma_start3A_22 : memref<1x1x100x64xf32, #tpu.memory_space<vmem>> -> memref<100x64xf32, #tpu.memory_space<vmem>>
    %dma_start3A_24 = arith.constant 0 : i32
    %dma_start3A_25 = tpu.memref_slice %arg5[%dma_start3A_17, %dma_start3A_24] : memref<256x100xi32, #tpu.memory_space<vmem>> -> memref<1x100xi32, #tpu.memory_space<vmem>>
    %dma_start3A_26 = tpu.memref_squeeze %dma_start3A_25 : memref<1x100xi32, #tpu.memory_space<vmem>> -> memref<100xi32, #tpu.memory_space<vmem>>
    %dma_start3A_27 = arith.constant 0 : i32
    %dma_start3A_28 = arith.constant 0 : i32
    %dma_start3A_29 = tpu.memref_slice %arg3[%dma_start3A_27, %dma_start3A_28] : memref<2000000x64xf32, #tpu.memory_space<hbm>> -> memref<2000000x64xf32, #tpu.memory_space<hbm>>
    tpu.enqueue_indirect_dma source(%dma_start3A_29 : memref<2000000x64xf32, #tpu.memory_space<hbm>>) target(%dma_start3A_23 : memref<100x64xf32, #tpu.memory_space<vmem>>) offsets(%dma_start3A_26 : memref<100xi32, #tpu.memory_space<vmem>>) semaphore(%arg7 : memref<!tpu.dma_semaphore, #tpu.memory_space<semaphore_mem>>)
    %dma_start3A_30 = arith.constant 2 : i32
    %dma_start3A_31 = arith.constant 0 : i32
    %dma_start3A_32 = arith.constant 2 : i32
    %dma_start3A_33 = arith.constant 0 : i32
    %dma_start3A_34 = arith.constant 0 : i32
    %dma_start3A_35 = tpu.memref_slice %arg6[%dma_start3A_31, %dma_start3A_32, %dma_start3A_33, %dma_start3A_34] : memref<2x4x100x64xf32, #tpu.memory_space<vmem>> -> memref<1x1x100x64xf32, #tpu.memory_space<vmem>>
    %dma_start3A_36 = tpu.memref_squeeze %dma_start3A_35 : memref<1x1x100x64xf32, #tpu.memory_space<vmem>> -> memref<100x64xf32, #tpu.memory_space<vmem>>
    %dma_start3A_37 = arith.constant 0 : i32
    %dma_start3A_38 = tpu.memref_slice %arg5[%dma_start3A_30, %dma_start3A_37] : memref<256x100xi32, #tpu.memory_space<vmem>> -> memref<1x100xi32, #tpu.memory_space<vmem>>
    %dma_start3A_39 = tpu.memref_squeeze %dma_start3A_38 : memref<1x100xi32, #tpu.memory_space<vmem>> -> memref<100xi32, #tpu.memory_space<vmem>>
    %dma_start3A_40 = arith.constant 0 : i32
    %dma_start3A_41 = arith.constant 0 : i32
    %dma_start3A_42 = tpu.memref_slice %arg3[%dma_start3A_40, %dma_start3A_41] : memref<2000000x64xf32, #tpu.memory_space<hbm>> -> memref<2000000x64xf32, #tpu.memory_space<hbm>>
    tpu.enqueue_indirect_dma source(%dma_start3A_42 : memref<2000000x64xf32, #tpu.memory_space<hbm>>) target(%dma_start3A_36 : memref<100x64xf32, #tpu.memory_space<vmem>>) offsets(%dma_start3A_39 : memref<100xi32, #tpu.memory_space<vmem>>) semaphore(%arg7 : memref<!tpu.dma_semaphore, #tpu.memory_space<semaphore_mem>>)
    %dma_start3A_43 = arith.constant 3 : i32
    %dma_start3A_44 = arith.constant 0 : i32
    %dma_start3A_45 = arith.constant 3 : i32
    %dma_start3A_46 = arith.constant 0 : i32
    %dma_start3A_47 = arith.constant 0 : i32
    %dma_start3A_48 = tpu.memref_slice %arg6[%dma_start3A_44, %dma_start3A_45, %dma_start3A_46, %dma_start3A_47] : memref<2x4x100x64xf32, #tpu.memory_space<vmem>> -> memref<1x1x100x64xf32, #tpu.memory_space<vmem>>
    %dma_start3A_49 = tpu.memref_squeeze %dma_start3A_48 : memref<1x1x100x64xf32, #tpu.memory_space<vmem>> -> memref<100x64xf32, #tpu.memory_space<vmem>>
    %dma_start3A_50 = arith.constant 0 : i32
    %dma_start3A_51 = tpu.memref_slice %arg5[%dma_start3A_43, %dma_start3A_50] : memref<256x100xi32, #tpu.memory_space<vmem>> -> memref<1x100xi32, #tpu.memory_space<vmem>>
    %dma_start3A_52 = tpu.memref_squeeze %dma_start3A_51 : memref<1x100xi32, #tpu.memory_space<vmem>> -> memref<100xi32, #tpu.memory_space<vmem>>
    %dma_start3A_53 = arith.constant 0 : i32
    %dma_start3A_54 = arith.constant 0 : i32
    %dma_start3A_55 = tpu.memref_slice %arg3[%dma_start3A_53, %dma_start3A_54] : memref<2000000x64xf32, #tpu.memory_space<hbm>> -> memref<2000000x64xf32, #tpu.memory_space<hbm>>
    tpu.enqueue_indirect_dma source(%dma_start3A_55 : memref<2000000x64xf32, #tpu.memory_space<hbm>>) target(%dma_start3A_49 : memref<100x64xf32, #tpu.memory_space<vmem>>) offsets(%dma_start3A_52 : memref<100xi32, #tpu.memory_space<vmem>>) semaphore(%arg7 : memref<!tpu.dma_semaphore, #tpu.memory_space<semaphore_mem>>)
    %dma_start3A_56 = arith.constant 4 : i32
    %dma_start3A_57 = arith.constant 1 : i32
    %dma_start3A_58 = arith.constant 0 : i32
    %dma_start3A_59 = arith.constant 0 : i32
    %dma_start3A_60 = arith.constant 0 : i32
    %dma_start3A_61 = tpu.memref_slice %arg6[%dma_start3A_57, %dma_start3A_58, %dma_start3A_59, %dma_start3A_60] : memref<2x4x100x64xf32, #tpu.memory_space<vmem>> -> memref<1x1x100x64xf32, #tpu.memory_space<vmem>>
    %dma_start3A_62 = tpu.memref_squeeze %dma_start3A_61 : memref<1x1x100x64xf32, #tpu.memory_space<vmem>> -> memref<100x64xf32, #tpu.memory_space<vmem>>
    %dma_start3A_63 = arith.constant 0 : i32
    %dma_start3A_64 = tpu.memref_slice %arg5[%dma_start3A_56, %dma_start3A_63] : memref<256x100xi32, #tpu.memory_space<vmem>> -> memref<1x100xi32, #tpu.memory_space<vmem>>
    %dma_start3A_65 = tpu.memref_squeeze %dma_start3A_64 : memref<1x100xi32, #tpu.memory_space<vmem>> -> memref<100xi32, #tpu.memory_space<vmem>>
    %dma_start3A_66 = arith.constant 0 : i32
    %dma_start3A_67 = arith.constant 0 : i32
    %dma_start3A_68 = tpu.memref_slice %arg3[%dma_start3A_66, %dma_start3A_67] : memref<2000000x64xf32, #tpu.memory_space<hbm>> -> memref<2000000x64xf32, #tpu.memory_space<hbm>>
    tpu.enqueue_indirect_dma source(%dma_start3A_68 : memref<2000000x64xf32, #tpu.memory_space<hbm>>) target(%dma_start3A_62 : memref<100x64xf32, #tpu.memory_space<vmem>>) offsets(%dma_start3A_65 : memref<100xi32, #tpu.memory_space<vmem>>) semaphore(%arg8 : memref<!tpu.dma_semaphore, #tpu.memory_space<semaphore_mem>>)
    %dma_start3A_69 = arith.constant 5 : i32
    %dma_start3A_70 = arith.constant 1 : i32
    %dma_start3A_71 = arith.constant 1 : i32
    %dma_start3A_72 = arith.constant 0 : i32
    %dma_start3A_73 = arith.constant 0 : i32
    %dma_start3A_74 = tpu.memref_slice %arg6[%dma_start3A_70, %dma_start3A_71, %dma_start3A_72, %dma_start3A_73] : memref<2x4x100x64xf32, #tpu.memory_space<vmem>> -> memref<1x1x100x64xf32, #tpu.memory_space<vmem>>
    %dma_start3A_75 = tpu.memref_squeeze %dma_start3A_74 : memref<1x1x100x64xf32, #tpu.memory_space<vmem>> -> memref<100x64xf32, #tpu.memory_space<vmem>>
    %dma_start3A_76 = arith.constant 0 : i32
    %dma_start3A_77 = tpu.memref_slice %arg5[%dma_start3A_69, %dma_start3A_76] : memref<256x100xi32, #tpu.memory_space<vmem>> -> memref<1x100xi32, #tpu.memory_space<vmem>>
    %dma_start3A_78 = tpu.memref_squeeze %dma_start3A_77 : memref<1x100xi32, #tpu.memory_space<vmem>> -> memref<100xi32, #tpu.memory_space<vmem>>
    %dma_start3A_79 = arith.constant 0 : i32
    %dma_start3A_80 = arith.constant 0 : i32
    %dma_start3A_81 = tpu.memref_slice %arg3[%dma_start3A_79, %dma_start3A_80] : memref<2000000x64xf32, #tpu.memory_space<hbm>> -> memref<2000000x64xf32, #tpu.memory_space<hbm>>
    tpu.enqueue_indirect_dma source(%dma_start3A_81 : memref<2000000x64xf32, #tpu.memory_space<hbm>>) target(%dma_start3A_75 : memref<100x64xf32, #tpu.memory_space<vmem>>) offsets(%dma_start3A_78 : memref<100xi32, #tpu.memory_space<vmem>>) semaphore(%arg8 : memref<!tpu.dma_semaphore, #tpu.memory_space<semaphore_mem>>)
    %dma_start3A_82 = arith.constant 6 : i32
    %dma_start3A_83 = arith.constant 1 : i32
    %dma_start3A_84 = arith.constant 2 : i32
    %dma_start3A_85 = arith.constant 0 : i32
    %dma_start3A_86 = arith.constant 0 : i32
    %dma_start3A_87 = tpu.memref_slice %arg6[%dma_start3A_83, %dma_start3A_84, %dma_start3A_85, %dma_start3A_86] : memref<2x4x100x64xf32, #tpu.memory_space<vmem>> -> memref<1x1x100x64xf32, #tpu.memory_space<vmem>>
    %dma_start3A_88 = tpu.memref_squeeze %dma_start3A_87 : memref<1x1x100x64xf32, #tpu.memory_space<vmem>> -> memref<100x64xf32, #tpu.memory_space<vmem>>
    %dma_start3A_89 = arith.constant 0 : i32
    %dma_start3A_90 = tpu.memref_slice %arg5[%dma_start3A_82, %dma_start3A_89] : memref<256x100xi32, #tpu.memory_space<vmem>> -> memref<1x100xi32, #tpu.memory_space<vmem>>
    %dma_start3A_91 = tpu.memref_squeeze %dma_start3A_90 : memref<1x100xi32, #tpu.memory_space<vmem>> -> memref<100xi32, #tpu.memory_space<vmem>>
    %dma_start3A_92 = arith.constant 0 : i32
    %dma_start3A_93 = arith.constant 0 : i32
    %dma_start3A_94 = tpu.memref_slice %arg3[%dma_start3A_92, %dma_start3A_93] : memref<2000000x64xf32, #tpu.memory_space<hbm>> -> memref<2000000x64xf32, #tpu.memory_space<hbm>>
    tpu.enqueue_indirect_dma source(%dma_start3A_94 : memref<2000000x64xf32, #tpu.memory_space<hbm>>) target(%dma_start3A_88 : memref<100x64xf32, #tpu.memory_space<vmem>>) offsets(%dma_start3A_91 : memref<100xi32, #tpu.memory_space<vmem>>) semaphore(%arg8 : memref<!tpu.dma_semaphore, #tpu.memory_space<semaphore_mem>>)
    %dma_start3A_95 = arith.constant 7 : i32
    %dma_start3A_96 = arith.constant 1 : i32
    %dma_start3A_97 = arith.constant 3 : i32
    %dma_start3A_98 = arith.constant 0 : i32
    %dma_start3A_99 = arith.constant 0 : i32
    %dma_start3A_100 = tpu.memref_slice %arg6[%dma_start3A_96, %dma_start3A_97, %dma_start3A_98, %dma_start3A_99] : memref<2x4x100x64xf32, #tpu.memory_space<vmem>> -> memref<1x1x100x64xf32, #tpu.memory_space<vmem>>
    %dma_start3A_101 = tpu.memref_squeeze %dma_start3A_100 : memref<1x1x100x64xf32, #tpu.memory_space<vmem>> -> memref<100x64xf32, #tpu.memory_space<vmem>>
    %dma_start3A_102 = arith.constant 0 : i32
    %dma_start3A_103 = tpu.memref_slice %arg5[%dma_start3A_95, %dma_start3A_102] : memref<256x100xi32, #tpu.memory_space<vmem>> -> memref<1x100xi32, #tpu.memory_space<vmem>>
    %dma_start3A_104 = tpu.memref_squeeze %dma_start3A_103 : memref<1x100xi32, #tpu.memory_space<vmem>> -> memref<100xi32, #tpu.memory_space<vmem>>
    %dma_start3A_105 = arith.constant 0 : i32
    %dma_start3A_106 = arith.constant 0 : i32
    %dma_start3A_107 = tpu.memref_slice %arg3[%dma_start3A_105, %dma_start3A_106] : memref<2000000x64xf32, #tpu.memory_space<hbm>> -> memref<2000000x64xf32, #tpu.memory_space<hbm>>
    tpu.enqueue_indirect_dma source(%dma_start3A_107 : memref<2000000x64xf32, #tpu.memory_space<hbm>>) target(%dma_start3A_101 : memref<100x64xf32, #tpu.memory_space<vmem>>) offsets(%dma_start3A_104 : memref<100xi32, #tpu.memory_space<vmem>>) semaphore(%arg8 : memref<!tpu.dma_semaphore, #tpu.memory_space<semaphore_mem>>)
    %scan3A = arith.constant 0 : i32
    %scan3A_108 = arith.constant 0 : i32
    %scan3A_109 = arith.constant 32 : i32
    %scan3A_110 = arith.addi %scan3A_108, %scan3A_109 : i32
    %scan3A_111 = arith.constant 1 : i32
    scf.for %scan3A_113 = %scan3A_108 to %scan3A_110 step %scan3A_111  : i32 {
      %mul3A_114 = arith.constant 2 : i32
      %mul3A_115 = arith.muli %mul3A_114, %scan3A_113 : i32
      %add3A_116 = arith.constant 1 : i32
      %add3A_117 = arith.addi %mul3A_115, %add3A_116 : i32
      %dma_wait3A = arith.constant 0 : i32
      %dma_wait3A_118 = arith.constant 0 : i32
      %dma_wait3A_119 = arith.constant 0 : i32
      %dma_wait3A_120 = arith.constant 0 : i32
      %dma_wait3A_121 = arith.constant 0 : i32
      %dma_wait3A_122 = tpu.memref_slice %arg6[%dma_wait3A_118, %dma_wait3A_119, %dma_wait3A_120, %dma_wait3A_121] : memref<2x4x100x64xf32, #tpu.memory_space<vmem>> -> memref<1x1x100x64xf32, #tpu.memory_space<vmem>>
      %dma_wait3A_123 = tpu.memref_squeeze %dma_wait3A_122 : memref<1x1x100x64xf32, #tpu.memory_space<vmem>> -> memref<100x64xf32, #tpu.memory_space<vmem>>
      %dma_wait3A_124 = arith.constant 0 : i32
      %dma_wait3A_125 = tpu.memref_slice %arg5[%dma_wait3A, %dma_wait3A_124] : memref<256x100xi32, #tpu.memory_space<vmem>> -> memref<1x100xi32, #tpu.memory_space<vmem>>
      %dma_wait3A_126 = tpu.memref_squeeze %dma_wait3A_125 : memref<1x100xi32, #tpu.memory_space<vmem>> -> memref<100xi32, #tpu.memory_space<vmem>>
      %dma_wait3A_127 = arith.constant 0 : i32
      %dma_wait3A_128 = arith.constant 0 : i32
      %dma_wait3A_129 = tpu.memref_slice %arg3[%dma_wait3A_127, %dma_wait3A_128] : memref<2000000x64xf32, #tpu.memory_space<hbm>> -> memref<2000000x64xf32, #tpu.memory_space<hbm>>
      tpu.wait_indirect_dma semaphore(%arg7 : memref<!tpu.dma_semaphore, #tpu.memory_space<semaphore_mem>>) src(%dma_wait3A_129 : memref<2000000x64xf32, #tpu.memory_space<hbm>>) dst(%dma_wait3A_123 : memref<100x64xf32, #tpu.memory_space<vmem>>)
      %dma_wait3A_130 = arith.constant 1 : i32
      %dma_wait3A_131 = arith.constant 0 : i32
      %dma_wait3A_132 = arith.constant 1 : i32
      %dma_wait3A_133 = arith.constant 0 : i32
      %dma_wait3A_134 = arith.constant 0 : i32
      %dma_wait3A_135 = tpu.memref_slice %arg6[%dma_wait3A_131, %dma_wait3A_132, %dma_wait3A_133, %dma_wait3A_134] : memref<2x4x100x64xf32, #tpu.memory_space<vmem>> -> memref<1x1x100x64xf32, #tpu.memory_space<vmem>>
      %dma_wait3A_136 = tpu.memref_squeeze %dma_wait3A_135 : memref<1x1x100x64xf32, #tpu.memory_space<vmem>> -> memref<100x64xf32, #tpu.memory_space<vmem>>
      %dma_wait3A_137 = arith.constant 0 : i32
      %dma_wait3A_138 = tpu.memref_slice %arg5[%dma_wait3A_130, %dma_wait3A_137] : memref<256x100xi32, #tpu.memory_space<vmem>> -> memref<1x100xi32, #tpu.memory_space<vmem>>
      %dma_wait3A_139 = tpu.memref_squeeze %dma_wait3A_138 : memref<1x100xi32, #tpu.memory_space<vmem>> -> memref<100xi32, #tpu.memory_space<vmem>>
      %dma_wait3A_140 = arith.constant 0 : i32
      %dma_wait3A_141 = arith.constant 0 : i32
      %dma_wait3A_142 = tpu.memref_slice %arg3[%dma_wait3A_140, %dma_wait3A_141] : memref<2000000x64xf32, #tpu.memory_space<hbm>> -> memref<2000000x64xf32, #tpu.memory_space<hbm>>
      tpu.wait_indirect_dma semaphore(%arg7 : memref<!tpu.dma_semaphore, #tpu.memory_space<semaphore_mem>>) src(%dma_wait3A_142 : memref<2000000x64xf32, #tpu.memory_space<hbm>>) dst(%dma_wait3A_136 : memref<100x64xf32, #tpu.memory_space<vmem>>)
      %dma_wait3A_143 = arith.constant 2 : i32
      %dma_wait3A_144 = arith.constant 0 : i32
      %dma_wait3A_145 = arith.constant 2 : i32
      %dma_wait3A_146 = arith.constant 0 : i32
      %dma_wait3A_147 = arith.constant 0 : i32
      %dma_wait3A_148 = tpu.memref_slice %arg6[%dma_wait3A_144, %dma_wait3A_145, %dma_wait3A_146, %dma_wait3A_147] : memref<2x4x100x64xf32, #tpu.memory_space<vmem>> -> memref<1x1x100x64xf32, #tpu.memory_space<vmem>>
      %dma_wait3A_149 = tpu.memref_squeeze %dma_wait3A_148 : memref<1x1x100x64xf32, #tpu.memory_space<vmem>> -> memref<100x64xf32, #tpu.memory_space<vmem>>
      %dma_wait3A_150 = arith.constant 0 : i32
      %dma_wait3A_151 = tpu.memref_slice %arg5[%dma_wait3A_143, %dma_wait3A_150] : memref<256x100xi32, #tpu.memory_space<vmem>> -> memref<1x100xi32, #tpu.memory_space<vmem>>
      %dma_wait3A_152 = tpu.memref_squeeze %dma_wait3A_151 : memref<1x100xi32, #tpu.memory_space<vmem>> -> memref<100xi32, #tpu.memory_space<vmem>>
      %dma_wait3A_153 = arith.constant 0 : i32
      %dma_wait3A_154 = arith.constant 0 : i32
      %dma_wait3A_155 = tpu.memref_slice %arg3[%dma_wait3A_153, %dma_wait3A_154] : memref<2000000x64xf32, #tpu.memory_space<hbm>> -> memref<2000000x64xf32, #tpu.memory_space<hbm>>
      tpu.wait_indirect_dma semaphore(%arg7 : memref<!tpu.dma_semaphore, #tpu.memory_space<semaphore_mem>>) src(%dma_wait3A_155 : memref<2000000x64xf32, #tpu.memory_space<hbm>>) dst(%dma_wait3A_149 : memref<100x64xf32, #tpu.memory_space<vmem>>)
      %dma_wait3A_156 = arith.constant 3 : i32
      %dma_wait3A_157 = arith.constant 0 : i32
      %dma_wait3A_158 = arith.constant 3 : i32
      %dma_wait3A_159 = arith.constant 0 : i32
      %dma_wait3A_160 = arith.constant 0 : i32
      %dma_wait3A_161 = tpu.memref_slice %arg6[%dma_wait3A_157, %dma_wait3A_158, %dma_wait3A_159, %dma_wait3A_160] : memref<2x4x100x64xf32, #tpu.memory_space<vmem>> -> memref<1x1x100x64xf32, #tpu.memory_space<vmem>>
      %dma_wait3A_162 = tpu.memref_squeeze %dma_wait3A_161 : memref<1x1x100x64xf32, #tpu.memory_space<vmem>> -> memref<100x64xf32, #tpu.memory_space<vmem>>
      %dma_wait3A_163 = arith.constant 0 : i32
      %dma_wait3A_164 = tpu.memref_slice %arg5[%dma_wait3A_156, %dma_wait3A_163] : memref<256x100xi32, #tpu.memory_space<vmem>> -> memref<1x100xi32, #tpu.memory_space<vmem>>
      %dma_wait3A_165 = tpu.memref_squeeze %dma_wait3A_164 : memref<1x100xi32, #tpu.memory_space<vmem>> -> memref<100xi32, #tpu.memory_space<vmem>>
      %dma_wait3A_166 = arith.constant 0 : i32
      %dma_wait3A_167 = arith.constant 0 : i32
      %dma_wait3A_168 = tpu.memref_slice %arg3[%dma_wait3A_166, %dma_wait3A_167] : memref<2000000x64xf32, #tpu.memory_space<hbm>> -> memref<2000000x64xf32, #tpu.memory_space<hbm>>
      tpu.wait_indirect_dma semaphore(%arg7 : memref<!tpu.dma_semaphore, #tpu.memory_space<semaphore_mem>>) src(%dma_wait3A_168 : memref<2000000x64xf32, #tpu.memory_space<hbm>>) dst(%dma_wait3A_162 : memref<100x64xf32, #tpu.memory_space<vmem>>)
      %mul3A_169 = arith.constant 8 : i32
      %mul3A_170 = arith.muli %mul3A_115, %mul3A_169 : i32
      %add3A_171 = arith.addi %mul3A_2, %mul3A_170 : i32
      %add3A_172 = arith.constant 0 : i32
      %add3A_173 = arith.addi %add3A_171, %add3A_172 : i32
      %add3A_174 = arith.constant 0 : i32
      %add3A_175 = arith.addi %add3A_173, %add3A_174 : i32
      %dma_start3A_176 = arith.constant 0 : i32
      %dma_start3A_177 = arith.constant 0 : i32
      %dma_start3A_178 = arith.constant 0 : i32
      %dma_start3A_179 = arith.constant 0 : i32
      %dma_start3A_180 = tpu.memref_slice %arg6[%dma_start3A_176, %dma_start3A_177, %dma_start3A_178, %dma_start3A_179] : memref<2x4x100x64xf32, #tpu.memory_space<vmem>> -> memref<1x1x50x64xf32, #tpu.memory_space<vmem>>
      %dma_start3A_181 = tpu.memref_squeeze %dma_start3A_180 : memref<1x1x50x64xf32, #tpu.memory_space<vmem>> -> memref<50x64xf32, #tpu.memory_space<vmem>>
      %dma_start3A_182 = arith.constant 0 : i32
      %dma_start3A_183 = arith.constant 0 : i32
      %dma_start3A_184 = tpu.memref_slice %arg4[%add3A_175, %dma_start3A_182, %dma_start3A_183] : memref<16384x50x64xf32, #tpu.memory_space<hbm>> -> memref<1x50x64xf32, #tpu.memory_space<hbm>>
      %dma_start3A_185 = tpu.memref_squeeze %dma_start3A_184 : memref<1x50x64xf32, #tpu.memory_space<hbm>> -> memref<50x64xf32, #tpu.memory_space<hbm>>
      %dma_start3A_186 = arith.constant 0 : i32
      %dma_start3A_187 = arith.constant 0 : i32
      %dma_start3A_188 = tpu.memref_slice %arg4[%add3A_175, %dma_start3A_186, %dma_start3A_187] : memref<16384x50x64xf32, #tpu.memory_space<hbm>> -> memref<1x50x64xf32, #tpu.memory_space<hbm>>
      %dma_start3A_189 = tpu.memref_squeeze %dma_start3A_188 : memref<1x50x64xf32, #tpu.memory_space<hbm>> -> memref<50x64xf32, #tpu.memory_space<hbm>>
      %dma_start3A_190 = arith.constant 0 : i32
      %dma_start3A_191 = arith.constant 0 : i32
      %dma_start3A_192 = tpu.memref_slice %arg6[%dma_start3A_176, %dma_start3A_177, %dma_start3A_190, %dma_start3A_191] : memref<2x4x100x64xf32, #tpu.memory_space<vmem>> -> memref<1x1x50x64xf32, #tpu.memory_space<vmem>>
      %dma_start3A_193 = tpu.memref_squeeze %dma_start3A_192 : memref<1x1x50x64xf32, #tpu.memory_space<vmem>> -> memref<50x64xf32, #tpu.memory_space<vmem>>
      tpu.enqueue_dma source(%dma_start3A_193 : memref<50x64xf32, #tpu.memory_space<vmem>>) target(%dma_start3A_189 : memref<50x64xf32, #tpu.memory_space<hbm>>) target_semaphore(%arg9 : memref<!tpu.dma_semaphore, #tpu.memory_space<semaphore_mem>>)
      %add3A_194 = arith.constant 0 : i32
      %add3A_195 = arith.addi %add3A_171, %add3A_194 : i32
      %add3A_196 = arith.constant 1 : i32
      %add3A_197 = arith.addi %add3A_195, %add3A_196 : i32
      %dma_start3A_198 = arith.constant 0 : i32
      %dma_start3A_199 = arith.constant 0 : i32
      %dma_start3A_200 = arith.constant 50 : i32
      %dma_start3A_201 = arith.constant 0 : i32
      %dma_start3A_202 = tpu.memref_slice %arg6[%dma_start3A_198, %dma_start3A_199, %dma_start3A_200, %dma_start3A_201] : memref<2x4x100x64xf32, #tpu.memory_space<vmem>> -> memref<1x1x50x64xf32, #tpu.memory_space<vmem>>
      %dma_start3A_203 = tpu.memref_squeeze %dma_start3A_202 : memref<1x1x50x64xf32, #tpu.memory_space<vmem>> -> memref<50x64xf32, #tpu.memory_space<vmem>>
      %dma_start3A_204 = arith.constant 0 : i32
      %dma_start3A_205 = arith.constant 0 : i32
      %dma_start3A_206 = tpu.memref_slice %arg4[%add3A_197, %dma_start3A_204, %dma_start3A_205] : memref<16384x50x64xf32, #tpu.memory_space<hbm>> -> memref<1x50x64xf32, #tpu.memory_space<hbm>>
      %dma_start3A_207 = tpu.memref_squeeze %dma_start3A_206 : memref<1x50x64xf32, #tpu.memory_space<hbm>> -> memref<50x64xf32, #tpu.memory_space<hbm>>
      %dma_start3A_208 = arith.constant 0 : i32
      %dma_start3A_209 = arith.constant 0 : i32
      %dma_start3A_210 = tpu.memref_slice %arg4[%add3A_197, %dma_start3A_208, %dma_start3A_209] : memref<16384x50x64xf32, #tpu.memory_space<hbm>> -> memref<1x50x64xf32, #tpu.memory_space<hbm>>
      %dma_start3A_211 = tpu.memref_squeeze %dma_start3A_210 : memref<1x50x64xf32, #tpu.memory_space<hbm>> -> memref<50x64xf32, #tpu.memory_space<hbm>>
      %dma_start3A_212 = arith.constant 50 : i32
      %dma_start3A_213 = arith.constant 0 : i32
      %dma_start3A_214 = tpu.memref_slice %arg6[%dma_start3A_198, %dma_start3A_199, %dma_start3A_212, %dma_start3A_213] : memref<2x4x100x64xf32, #tpu.memory_space<vmem>> -> memref<1x1x50x64xf32, #tpu.memory_space<vmem>>
      %dma_start3A_215 = tpu.memref_squeeze %dma_start3A_214 : memref<1x1x50x64xf32, #tpu.memory_space<vmem>> -> memref<50x64xf32, #tpu.memory_space<vmem>>
      tpu.enqueue_dma source(%dma_start3A_215 : memref<50x64xf32, #tpu.memory_space<vmem>>) target(%dma_start3A_211 : memref<50x64xf32, #tpu.memory_space<hbm>>) target_semaphore(%arg9 : memref<!tpu.dma_semaphore, #tpu.memory_space<semaphore_mem>>)
      %add3A_216 = arith.constant 2 : i32
      %add3A_217 = arith.addi %add3A_171, %add3A_216 : i32
      %add3A_218 = arith.constant 0 : i32
      %add3A_219 = arith.addi %add3A_217, %add3A_218 : i32
      %dma_start3A_220 = arith.constant 0 : i32
      %dma_start3A_221 = arith.constant 1 : i32
      %dma_start3A_222 = arith.constant 0 : i32
      %dma_start3A_223 = arith.constant 0 : i32
      %dma_start3A_224 = tpu.memref_slice %arg6[%dma_start3A_220, %dma_start3A_221, %dma_start3A_222, %dma_start3A_223] : memref<2x4x100x64xf32, #tpu.memory_space<vmem>> -> memref<1x1x50x64xf32, #tpu.memory_space<vmem>>
      %dma_start3A_225 = tpu.memref_squeeze %dma_start3A_224 : memref<1x1x50x64xf32, #tpu.memory_space<vmem>> -> memref<50x64xf32, #tpu.memory_space<vmem>>
      %dma_start3A_226 = arith.constant 0 : i32
      %dma_start3A_227 = arith.constant 0 : i32
      %dma_start3A_228 = tpu.memref_slice %arg4[%add3A_219, %dma_start3A_226, %dma_start3A_227] : memref<16384x50x64xf32, #tpu.memory_space<hbm>> -> memref<1x50x64xf32, #tpu.memory_space<hbm>>
      %dma_start3A_229 = tpu.memref_squeeze %dma_start3A_228 : memref<1x50x64xf32, #tpu.memory_space<hbm>> -> memref<50x64xf32, #tpu.memory_space<hbm>>
      %dma_start3A_230 = arith.constant 0 : i32
      %dma_start3A_231 = arith.constant 0 : i32
      %dma_start3A_232 = tpu.memref_slice %arg4[%add3A_219, %dma_start3A_230, %dma_start3A_231] : memref<16384x50x64xf32, #tpu.memory_space<hbm>> -> memref<1x50x64xf32, #tpu.memory_space<hbm>>
      %dma_start3A_233 = tpu.memref_squeeze %dma_start3A_232 : memref<1x50x64xf32, #tpu.memory_space<hbm>> -> memref<50x64xf32, #tpu.memory_space<hbm>>
      %dma_start3A_234 = arith.constant 0 : i32
      %dma_start3A_235 = arith.constant 0 : i32
      %dma_start3A_236 = tpu.memref_slice %arg6[%dma_start3A_220, %dma_start3A_221, %dma_start3A_234, %dma_start3A_235] : memref<2x4x100x64xf32, #tpu.memory_space<vmem>> -> memref<1x1x50x64xf32, #tpu.memory_space<vmem>>
      %dma_start3A_237 = tpu.memref_squeeze %dma_start3A_236 : memref<1x1x50x64xf32, #tpu.memory_space<vmem>> -> memref<50x64xf32, #tpu.memory_space<vmem>>
      tpu.enqueue_dma source(%dma_start3A_237 : memref<50x64xf32, #tpu.memory_space<vmem>>) target(%dma_start3A_233 : memref<50x64xf32, #tpu.memory_space<hbm>>) target_semaphore(%arg9 : memref<!tpu.dma_semaphore, #tpu.memory_space<semaphore_mem>>)
      %add3A_238 = arith.constant 2 : i32
      %add3A_239 = arith.addi %add3A_171, %add3A_238 : i32
      %add3A_240 = arith.constant 1 : i32
      %add3A_241 = arith.addi %add3A_239, %add3A_240 : i32
      %dma_start3A_242 = arith.constant 0 : i32
      %dma_start3A_243 = arith.constant 1 : i32
      %dma_start3A_244 = arith.constant 50 : i32
      %dma_start3A_245 = arith.constant 0 : i32
      %dma_start3A_246 = tpu.memref_slice %arg6[%dma_start3A_242, %dma_start3A_243, %dma_start3A_244, %dma_start3A_245] : memref<2x4x100x64xf32, #tpu.memory_space<vmem>> -> memref<1x1x50x64xf32, #tpu.memory_space<vmem>>
      %dma_start3A_247 = tpu.memref_squeeze %dma_start3A_246 : memref<1x1x50x64xf32, #tpu.memory_space<vmem>> -> memref<50x64xf32, #tpu.memory_space<vmem>>
      %dma_start3A_248 = arith.constant 0 : i32
      %dma_start3A_249 = arith.constant 0 : i32
      %dma_start3A_250 = tpu.memref_slice %arg4[%add3A_241, %dma_start3A_248, %dma_start3A_249] : memref<16384x50x64xf32, #tpu.memory_space<hbm>> -> memref<1x50x64xf32, #tpu.memory_space<hbm>>
      %dma_start3A_251 = tpu.memref_squeeze %dma_start3A_250 : memref<1x50x64xf32, #tpu.memory_space<hbm>> -> memref<50x64xf32, #tpu.memory_space<hbm>>
      %dma_start3A_252 = arith.constant 0 : i32
      %dma_start3A_253 = arith.constant 0 : i32
      %dma_start3A_254 = tpu.memref_slice %arg4[%add3A_241, %dma_start3A_252, %dma_start3A_253] : memref<16384x50x64xf32, #tpu.memory_space<hbm>> -> memref<1x50x64xf32, #tpu.memory_space<hbm>>
      %dma_start3A_255 = tpu.memref_squeeze %dma_start3A_254 : memref<1x50x64xf32, #tpu.memory_space<hbm>> -> memref<50x64xf32, #tpu.memory_space<hbm>>
      %dma_start3A_256 = arith.constant 50 : i32
      %dma_start3A_257 = arith.constant 0 : i32
      %dma_start3A_258 = tpu.memref_slice %arg6[%dma_start3A_242, %dma_start3A_243, %dma_start3A_256, %dma_start3A_257] : memref<2x4x100x64xf32, #tpu.memory_space<vmem>> -> memref<1x1x50x64xf32, #tpu.memory_space<vmem>>
      %dma_start3A_259 = tpu.memref_squeeze %dma_start3A_258 : memref<1x1x50x64xf32, #tpu.memory_space<vmem>> -> memref<50x64xf32, #tpu.memory_space<vmem>>
      tpu.enqueue_dma source(%dma_start3A_259 : memref<50x64xf32, #tpu.memory_space<vmem>>) target(%dma_start3A_255 : memref<50x64xf32, #tpu.memory_space<hbm>>) target_semaphore(%arg9 : memref<!tpu.dma_semaphore, #tpu.memory_space<semaphore_mem>>)
      %add3A_260 = arith.constant 4 : i32
      %add3A_261 = arith.addi %add3A_171, %add3A_260 : i32
      %add3A_262 = arith.constant 0 : i32
      %add3A_263 = arith.addi %add3A_261, %add3A_262 : i32
      %dma_start3A_264 = arith.constant 0 : i32
      %dma_start3A_265 = arith.constant 2 : i32
      %dma_start3A_266 = arith.constant 0 : i32
      %dma_start3A_267 = arith.constant 0 : i32
      %dma_start3A_268 = tpu.memref_slice %arg6[%dma_start3A_264, %dma_start3A_265, %dma_start3A_266, %dma_start3A_267] : memref<2x4x100x64xf32, #tpu.memory_space<vmem>> -> memref<1x1x50x64xf32, #tpu.memory_space<vmem>>
      %dma_start3A_269 = tpu.memref_squeeze %dma_start3A_268 : memref<1x1x50x64xf32, #tpu.memory_space<vmem>> -> memref<50x64xf32, #tpu.memory_space<vmem>>
      %dma_start3A_270 = arith.constant 0 : i32
      %dma_start3A_271 = arith.constant 0 : i32
      %dma_start3A_272 = tpu.memref_slice %arg4[%add3A_263, %dma_start3A_270, %dma_start3A_271] : memref<16384x50x64xf32, #tpu.memory_space<hbm>> -> memref<1x50x64xf32, #tpu.memory_space<hbm>>
      %dma_start3A_273 = tpu.memref_squeeze %dma_start3A_272 : memref<1x50x64xf32, #tpu.memory_space<hbm>> -> memref<50x64xf32, #tpu.memory_space<hbm>>
      %dma_start3A_274 = arith.constant 0 : i32
      %dma_start3A_275 = arith.constant 0 : i32
      %dma_start3A_276 = tpu.memref_slice %arg4[%add3A_263, %dma_start3A_274, %dma_start3A_275] : memref<16384x50x64xf32, #tpu.memory_space<hbm>> -> memref<1x50x64xf32, #tpu.memory_space<hbm>>
      %dma_start3A_277 = tpu.memref_squeeze %dma_start3A_276 : memref<1x50x64xf32, #tpu.memory_space<hbm>> -> memref<50x64xf32, #tpu.memory_space<hbm>>
      %dma_start3A_278 = arith.constant 0 : i32
      %dma_start3A_279 = arith.constant 0 : i32
      %dma_start3A_280 = tpu.memref_slice %arg6[%dma_start3A_264, %dma_start3A_265, %dma_start3A_278, %dma_start3A_279] : memref<2x4x100x64xf32, #tpu.memory_space<vmem>> -> memref<1x1x50x64xf32, #tpu.memory_space<vmem>>
      %dma_start3A_281 = tpu.memref_squeeze %dma_start3A_280 : memref<1x1x50x64xf32, #tpu.memory_space<vmem>> -> memref<50x64xf32, #tpu.memory_space<vmem>>
      tpu.enqueue_dma source(%dma_start3A_281 : memref<50x64xf32, #tpu.memory_space<vmem>>) target(%dma_start3A_277 : memref<50x64xf32, #tpu.memory_space<hbm>>) target_semaphore(%arg9 : memref<!tpu.dma_semaphore, #tpu.memory_space<semaphore_mem>>)
      %add3A_282 = arith.constant 4 : i32
      %add3A_283 = arith.addi %add3A_171, %add3A_282 : i32
      %add3A_284 = arith.constant 1 : i32
      %add3A_285 = arith.addi %add3A_283, %add3A_284 : i32
      %dma_start3A_286 = arith.constant 0 : i32
      %dma_start3A_287 = arith.constant 2 : i32
      %dma_start3A_288 = arith.constant 50 : i32
      %dma_start3A_289 = arith.constant 0 : i32
      %dma_start3A_290 = tpu.memref_slice %arg6[%dma_start3A_286, %dma_start3A_287, %dma_start3A_288, %dma_start3A_289] : memref<2x4x100x64xf32, #tpu.memory_space<vmem>> -> memref<1x1x50x64xf32, #tpu.memory_space<vmem>>
      %dma_start3A_291 = tpu.memref_squeeze %dma_start3A_290 : memref<1x1x50x64xf32, #tpu.memory_space<vmem>> -> memref<50x64xf32, #tpu.memory_space<vmem>>
      %dma_start3A_292 = arith.constant 0 : i32
      %dma_start3A_293 = arith.constant 0 : i32
      %dma_start3A_294 = tpu.memref_slice %arg4[%add3A_285, %dma_start3A_292, %dma_start3A_293] : memref<16384x50x64xf32, #tpu.memory_space<hbm>> -> memref<1x50x64xf32, #tpu.memory_space<hbm>>
      %dma_start3A_295 = tpu.memref_squeeze %dma_start3A_294 : memref<1x50x64xf32, #tpu.memory_space<hbm>> -> memref<50x64xf32, #tpu.memory_space<hbm>>
      %dma_start3A_296 = arith.constant 0 : i32
      %dma_start3A_297 = arith.constant 0 : i32
      %dma_start3A_298 = tpu.memref_slice %arg4[%add3A_285, %dma_start3A_296, %dma_start3A_297] : memref<16384x50x64xf32, #tpu.memory_space<hbm>> -> memref<1x50x64xf32, #tpu.memory_space<hbm>>
      %dma_start3A_299 = tpu.memref_squeeze %dma_start3A_298 : memref<1x50x64xf32, #tpu.memory_space<hbm>> -> memref<50x64xf32, #tpu.memory_space<hbm>>
      %dma_start3A_300 = arith.constant 50 : i32
      %dma_start3A_301 = arith.constant 0 : i32
      %dma_start3A_302 = tpu.memref_slice %arg6[%dma_start3A_286, %dma_start3A_287, %dma_start3A_300, %dma_start3A_301] : memref<2x4x100x64xf32, #tpu.memory_space<vmem>> -> memref<1x1x50x64xf32, #tpu.memory_space<vmem>>
      %dma_start3A_303 = tpu.memref_squeeze %dma_start3A_302 : memref<1x1x50x64xf32, #tpu.memory_space<vmem>> -> memref<50x64xf32, #tpu.memory_space<vmem>>
      tpu.enqueue_dma source(%dma_start3A_303 : memref<50x64xf32, #tpu.memory_space<vmem>>) target(%dma_start3A_299 : memref<50x64xf32, #tpu.memory_space<hbm>>) target_semaphore(%arg9 : memref<!tpu.dma_semaphore, #tpu.memory_space<semaphore_mem>>)
      %add3A_304 = arith.constant 6 : i32
      %add3A_305 = arith.addi %add3A_171, %add3A_304 : i32
      %add3A_306 = arith.constant 0 : i32
      %add3A_307 = arith.addi %add3A_305, %add3A_306 : i32
      %dma_start3A_308 = arith.constant 0 : i32
      %dma_start3A_309 = arith.constant 3 : i32
      %dma_start3A_310 = arith.constant 0 : i32
      %dma_start3A_311 = arith.constant 0 : i32
      %dma_start3A_312 = tpu.memref_slice %arg6[%dma_start3A_308, %dma_start3A_309, %dma_start3A_310, %dma_start3A_311] : memref<2x4x100x64xf32, #tpu.memory_space<vmem>> -> memref<1x1x50x64xf32, #tpu.memory_space<vmem>>
      %dma_start3A_313 = tpu.memref_squeeze %dma_start3A_312 : memref<1x1x50x64xf32, #tpu.memory_space<vmem>> -> memref<50x64xf32, #tpu.memory_space<vmem>>
      %dma_start3A_314 = arith.constant 0 : i32
      %dma_start3A_315 = arith.constant 0 : i32
      %dma_start3A_316 = tpu.memref_slice %arg4[%add3A_307, %dma_start3A_314, %dma_start3A_315] : memref<16384x50x64xf32, #tpu.memory_space<hbm>> -> memref<1x50x64xf32, #tpu.memory_space<hbm>>
      %dma_start3A_317 = tpu.memref_squeeze %dma_start3A_316 : memref<1x50x64xf32, #tpu.memory_space<hbm>> -> memref<50x64xf32, #tpu.memory_space<hbm>>
      %dma_start3A_318 = arith.constant 0 : i32
      %dma_start3A_319 = arith.constant 0 : i32
      %dma_start3A_320 = tpu.memref_slice %arg4[%add3A_307, %dma_start3A_318, %dma_start3A_319] : memref<16384x50x64xf32, #tpu.memory_space<hbm>> -> memref<1x50x64xf32, #tpu.memory_space<hbm>>
      %dma_start3A_321 = tpu.memref_squeeze %dma_start3A_320 : memref<1x50x64xf32, #tpu.memory_space<hbm>> -> memref<50x64xf32, #tpu.memory_space<hbm>>
      %dma_start3A_322 = arith.constant 0 : i32
      %dma_start3A_323 = arith.constant 0 : i32
      %dma_start3A_324 = tpu.memref_slice %arg6[%dma_start3A_308, %dma_start3A_309, %dma_start3A_322, %dma_start3A_323] : memref<2x4x100x64xf32, #tpu.memory_space<vmem>> -> memref<1x1x50x64xf32, #tpu.memory_space<vmem>>
      %dma_start3A_325 = tpu.memref_squeeze %dma_start3A_324 : memref<1x1x50x64xf32, #tpu.memory_space<vmem>> -> memref<50x64xf32, #tpu.memory_space<vmem>>
      tpu.enqueue_dma source(%dma_start3A_325 : memref<50x64xf32, #tpu.memory_space<vmem>>) target(%dma_start3A_321 : memref<50x64xf32, #tpu.memory_space<hbm>>) target_semaphore(%arg9 : memref<!tpu.dma_semaphore, #tpu.memory_space<semaphore_mem>>)
      %add3A_326 = arith.constant 6 : i32
      %add3A_327 = arith.addi %add3A_171, %add3A_326 : i32
      %add3A_328 = arith.constant 1 : i32
      %add3A_329 = arith.addi %add3A_327, %add3A_328 : i32
      %dma_start3A_330 = arith.constant 0 : i32
      %dma_start3A_331 = arith.constant 3 : i32
      %dma_start3A_332 = arith.constant 50 : i32
      %dma_start3A_333 = arith.constant 0 : i32
      %dma_start3A_334 = tpu.memref_slice %arg6[%dma_start3A_330, %dma_start3A_331, %dma_start3A_332, %dma_start3A_333] : memref<2x4x100x64xf32, #tpu.memory_space<vmem>> -> memref<1x1x50x64xf32, #tpu.memory_space<vmem>>
      %dma_start3A_335 = tpu.memref_squeeze %dma_start3A_334 : memref<1x1x50x64xf32, #tpu.memory_space<vmem>> -> memref<50x64xf32, #tpu.memory_space<vmem>>
      %dma_start3A_336 = arith.constant 0 : i32
      %dma_start3A_337 = arith.constant 0 : i32
      %dma_start3A_338 = tpu.memref_slice %arg4[%add3A_329, %dma_start3A_336, %dma_start3A_337] : memref<16384x50x64xf32, #tpu.memory_space<hbm>> -> memref<1x50x64xf32, #tpu.memory_space<hbm>>
      %dma_start3A_339 = tpu.memref_squeeze %dma_start3A_338 : memref<1x50x64xf32, #tpu.memory_space<hbm>> -> memref<50x64xf32, #tpu.memory_space<hbm>>
      %dma_start3A_340 = arith.constant 0 : i32
      %dma_start3A_341 = arith.constant 0 : i32
      %dma_start3A_342 = tpu.memref_slice %arg4[%add3A_329, %dma_start3A_340, %dma_start3A_341] : memref<16384x50x64xf32, #tpu.memory_space<hbm>> -> memref<1x50x64xf32, #tpu.memory_space<hbm>>
      %dma_start3A_343 = tpu.memref_squeeze %dma_start3A_342 : memref<1x50x64xf32, #tpu.memory_space<hbm>> -> memref<50x64xf32, #tpu.memory_space<hbm>>
      %dma_start3A_344 = arith.constant 50 : i32
      %dma_start3A_345 = arith.constant 0 : i32
      %dma_start3A_346 = tpu.memref_slice %arg6[%dma_start3A_330, %dma_start3A_331, %dma_start3A_344, %dma_start3A_345] : memref<2x4x100x64xf32, #tpu.memory_space<vmem>> -> memref<1x1x50x64xf32, #tpu.memory_space<vmem>>
      %dma_start3A_347 = tpu.memref_squeeze %dma_start3A_346 : memref<1x1x50x64xf32, #tpu.memory_space<vmem>> -> memref<50x64xf32, #tpu.memory_space<vmem>>
      tpu.enqueue_dma source(%dma_start3A_347 : memref<50x64xf32, #tpu.memory_space<vmem>>) target(%dma_start3A_343 : memref<50x64xf32, #tpu.memory_space<hbm>>) target_semaphore(%arg9 : memref<!tpu.dma_semaphore, #tpu.memory_space<semaphore_mem>>)
      %dma_wait3A_348 = arith.constant 0 : i32
      %dma_wait3A_349 = arith.constant 1 : i32
      %dma_wait3A_350 = arith.constant 0 : i32
      %dma_wait3A_351 = arith.constant 0 : i32
      %dma_wait3A_352 = arith.constant 0 : i32
      %dma_wait3A_353 = tpu.memref_slice %arg6[%dma_wait3A_349, %dma_wait3A_350, %dma_wait3A_351, %dma_wait3A_352] : memref<2x4x100x64xf32, #tpu.memory_space<vmem>> -> memref<1x1x100x64xf32, #tpu.memory_space<vmem>>
      %dma_wait3A_354 = tpu.memref_squeeze %dma_wait3A_353 : memref<1x1x100x64xf32, #tpu.memory_space<vmem>> -> memref<100x64xf32, #tpu.memory_space<vmem>>
      %dma_wait3A_355 = arith.constant 0 : i32
      %dma_wait3A_356 = tpu.memref_slice %arg5[%dma_wait3A_348, %dma_wait3A_355] : memref<256x100xi32, #tpu.memory_space<vmem>> -> memref<1x100xi32, #tpu.memory_space<vmem>>
      %dma_wait3A_357 = tpu.memref_squeeze %dma_wait3A_356 : memref<1x100xi32, #tpu.memory_space<vmem>> -> memref<100xi32, #tpu.memory_space<vmem>>
      %dma_wait3A_358 = arith.constant 0 : i32
      %dma_wait3A_359 = arith.constant 0 : i32
      %dma_wait3A_360 = tpu.memref_slice %arg3[%dma_wait3A_358, %dma_wait3A_359] : memref<2000000x64xf32, #tpu.memory_space<hbm>> -> memref<2000000x64xf32, #tpu.memory_space<hbm>>
      tpu.wait_indirect_dma semaphore(%arg8 : memref<!tpu.dma_semaphore, #tpu.memory_space<semaphore_mem>>) src(%dma_wait3A_360 : memref<2000000x64xf32, #tpu.memory_space<hbm>>) dst(%dma_wait3A_354 : memref<100x64xf32, #tpu.memory_space<vmem>>)
      %dma_wait3A_361 = arith.constant 1 : i32
      %dma_wait3A_362 = arith.constant 1 : i32
      %dma_wait3A_363 = arith.constant 1 : i32
      %dma_wait3A_364 = arith.constant 0 : i32
      %dma_wait3A_365 = arith.constant 0 : i32
      %dma_wait3A_366 = tpu.memref_slice %arg6[%dma_wait3A_362, %dma_wait3A_363, %dma_wait3A_364, %dma_wait3A_365] : memref<2x4x100x64xf32, #tpu.memory_space<vmem>> -> memref<1x1x100x64xf32, #tpu.memory_space<vmem>>
      %dma_wait3A_367 = tpu.memref_squeeze %dma_wait3A_366 : memref<1x1x100x64xf32, #tpu.memory_space<vmem>> -> memref<100x64xf32, #tpu.memory_space<vmem>>
      %dma_wait3A_368 = arith.constant 0 : i32
      %dma_wait3A_369 = tpu.memref_slice %arg5[%dma_wait3A_361, %dma_wait3A_368] : memref<256x100xi32, #tpu.memory_space<vmem>> -> memref<1x100xi32, #tpu.memory_space<vmem>>
      %dma_wait3A_370 = tpu.memref_squeeze %dma_wait3A_369 : memref<1x100xi32, #tpu.memory_space<vmem>> -> memref<100xi32, #tpu.memory_space<vmem>>
      %dma_wait3A_371 = arith.constant 0 : i32
      %dma_wait3A_372 = arith.constant 0 : i32
      %dma_wait3A_373 = tpu.memref_slice %arg3[%dma_wait3A_371, %dma_wait3A_372] : memref<2000000x64xf32, #tpu.memory_space<hbm>> -> memref<2000000x64xf32, #tpu.memory_space<hbm>>
      tpu.wait_indirect_dma semaphore(%arg8 : memref<!tpu.dma_semaphore, #tpu.memory_space<semaphore_mem>>) src(%dma_wait3A_373 : memref<2000000x64xf32, #tpu.memory_space<hbm>>) dst(%dma_wait3A_367 : memref<100x64xf32, #tpu.memory_space<vmem>>)
      %dma_wait3A_374 = arith.constant 2 : i32
      %dma_wait3A_375 = arith.constant 1 : i32
      %dma_wait3A_376 = arith.constant 2 : i32
      %dma_wait3A_377 = arith.constant 0 : i32
      %dma_wait3A_378 = arith.constant 0 : i32
      %dma_wait3A_379 = tpu.memref_slice %arg6[%dma_wait3A_375, %dma_wait3A_376, %dma_wait3A_377, %dma_wait3A_378] : memref<2x4x100x64xf32, #tpu.memory_space<vmem>> -> memref<1x1x100x64xf32, #tpu.memory_space<vmem>>
      %dma_wait3A_380 = tpu.memref_squeeze %dma_wait3A_379 : memref<1x1x100x64xf32, #tpu.memory_space<vmem>> -> memref<100x64xf32, #tpu.memory_space<vmem>>
      %dma_wait3A_381 = arith.constant 0 : i32
      %dma_wait3A_382 = tpu.memref_slice %arg5[%dma_wait3A_374, %dma_wait3A_381] : memref<256x100xi32, #tpu.memory_space<vmem>> -> memref<1x100xi32, #tpu.memory_space<vmem>>
      %dma_wait3A_383 = tpu.memref_squeeze %dma_wait3A_382 : memref<1x100xi32, #tpu.memory_space<vmem>> -> memref<100xi32, #tpu.memory_space<vmem>>
      %dma_wait3A_384 = arith.constant 0 : i32
      %dma_wait3A_385 = arith.constant 0 : i32
      %dma_wait3A_386 = tpu.memref_slice %arg3[%dma_wait3A_384, %dma_wait3A_385] : memref<2000000x64xf32, #tpu.memory_space<hbm>> -> memref<2000000x64xf32, #tpu.memory_space<hbm>>
      tpu.wait_indirect_dma semaphore(%arg8 : memref<!tpu.dma_semaphore, #tpu.memory_space<semaphore_mem>>) src(%dma_wait3A_386 : memref<2000000x64xf32, #tpu.memory_space<hbm>>) dst(%dma_wait3A_380 : memref<100x64xf32, #tpu.memory_space<vmem>>)
      %dma_wait3A_387 = arith.constant 3 : i32
      %dma_wait3A_388 = arith.constant 1 : i32
      %dma_wait3A_389 = arith.constant 3 : i32
      %dma_wait3A_390 = arith.constant 0 : i32
      %dma_wait3A_391 = arith.constant 0 : i32
      %dma_wait3A_392 = tpu.memref_slice %arg6[%dma_wait3A_388, %dma_wait3A_389, %dma_wait3A_390, %dma_wait3A_391] : memref<2x4x100x64xf32, #tpu.memory_space<vmem>> -> memref<1x1x100x64xf32, #tpu.memory_space<vmem>>
      %dma_wait3A_393 = tpu.memref_squeeze %dma_wait3A_392 : memref<1x1x100x64xf32, #tpu.memory_space<vmem>> -> memref<100x64xf32, #tpu.memory_space<vmem>>
      %dma_wait3A_394 = arith.constant 0 : i32
      %dma_wait3A_395 = tpu.memref_slice %arg5[%dma_wait3A_387, %dma_wait3A_394] : memref<256x100xi32, #tpu.memory_space<vmem>> -> memref<1x100xi32, #tpu.memory_space<vmem>>
      %dma_wait3A_396 = tpu.memref_squeeze %dma_wait3A_395 : memref<1x100xi32, #tpu.memory_space<vmem>> -> memref<100xi32, #tpu.memory_space<vmem>>
      %dma_wait3A_397 = arith.constant 0 : i32
      %dma_wait3A_398 = arith.constant 0 : i32
      %dma_wait3A_399 = tpu.memref_slice %arg3[%dma_wait3A_397, %dma_wait3A_398] : memref<2000000x64xf32, #tpu.memory_space<hbm>> -> memref<2000000x64xf32, #tpu.memory_space<hbm>>
      tpu.wait_indirect_dma semaphore(%arg8 : memref<!tpu.dma_semaphore, #tpu.memory_space<semaphore_mem>>) src(%dma_wait3A_399 : memref<2000000x64xf32, #tpu.memory_space<hbm>>) dst(%dma_wait3A_393 : memref<100x64xf32, #tpu.memory_space<vmem>>)
      %mul3A_400 = arith.constant 8 : i32
      %mul3A_401 = arith.muli %add3A_117, %mul3A_400 : i32
      %add3A_402 = arith.addi %mul3A_2, %mul3A_401 : i32
      %add3A_403 = arith.constant 0 : i32
      %add3A_404 = arith.addi %add3A_402, %add3A_403 : i32
      %add3A_405 = arith.constant 0 : i32
      %add3A_406 = arith.addi %add3A_404, %add3A_405 : i32
      %dma_start3A_407 = arith.constant 1 : i32
      %dma_start3A_408 = arith.constant 0 : i32
      %dma_start3A_409 = arith.constant 0 : i32
      %dma_start3A_410 = arith.constant 0 : i32
      %dma_start3A_411 = tpu.memref_slice %arg6[%dma_start3A_407, %dma_start3A_408, %dma_start3A_409, %dma_start3A_410] : memref<2x4x100x64xf32, #tpu.memory_space<vmem>> -> memref<1x1x50x64xf32, #tpu.memory_space<vmem>>
      %dma_start3A_412 = tpu.memref_squeeze %dma_start3A_411 : memref<1x1x50x64xf32, #tpu.memory_space<vmem>> -> memref<50x64xf32, #tpu.memory_space<vmem>>
      %dma_start3A_413 = arith.constant 0 : i32
      %dma_start3A_414 = arith.constant 0 : i32
      %dma_start3A_415 = tpu.memref_slice %arg4[%add3A_406, %dma_start3A_413, %dma_start3A_414] : memref<16384x50x64xf32, #tpu.memory_space<hbm>> -> memref<1x50x64xf32, #tpu.memory_space<hbm>>
      %dma_start3A_416 = tpu.memref_squeeze %dma_start3A_415 : memref<1x50x64xf32, #tpu.memory_space<hbm>> -> memref<50x64xf32, #tpu.memory_space<hbm>>
      %dma_start3A_417 = arith.constant 0 : i32
      %dma_start3A_418 = arith.constant 0 : i32
      %dma_start3A_419 = tpu.memref_slice %arg4[%add3A_406, %dma_start3A_417, %dma_start3A_418] : memref<16384x50x64xf32, #tpu.memory_space<hbm>> -> memref<1x50x64xf32, #tpu.memory_space<hbm>>
      %dma_start3A_420 = tpu.memref_squeeze %dma_start3A_419 : memref<1x50x64xf32, #tpu.memory_space<hbm>> -> memref<50x64xf32, #tpu.memory_space<hbm>>
      %dma_start3A_421 = arith.constant 0 : i32
      %dma_start3A_422 = arith.constant 0 : i32
      %dma_start3A_423 = tpu.memref_slice %arg6[%dma_start3A_407, %dma_start3A_408, %dma_start3A_421, %dma_start3A_422] : memref<2x4x100x64xf32, #tpu.memory_space<vmem>> -> memref<1x1x50x64xf32, #tpu.memory_space<vmem>>
      %dma_start3A_424 = tpu.memref_squeeze %dma_start3A_423 : memref<1x1x50x64xf32, #tpu.memory_space<vmem>> -> memref<50x64xf32, #tpu.memory_space<vmem>>
      tpu.enqueue_dma source(%dma_start3A_424 : memref<50x64xf32, #tpu.memory_space<vmem>>) target(%dma_start3A_420 : memref<50x64xf32, #tpu.memory_space<hbm>>) target_semaphore(%arg10 : memref<!tpu.dma_semaphore, #tpu.memory_space<semaphore_mem>>)
      %add3A_425 = arith.constant 0 : i32
      %add3A_426 = arith.addi %add3A_402, %add3A_425 : i32
      %add3A_427 = arith.constant 1 : i32
      %add3A_428 = arith.addi %add3A_426, %add3A_427 : i32
      %dma_start3A_429 = arith.constant 1 : i32
      %dma_start3A_430 = arith.constant 0 : i32
      %dma_start3A_431 = arith.constant 50 : i32
      %dma_start3A_432 = arith.constant 0 : i32
      %dma_start3A_433 = tpu.memref_slice %arg6[%dma_start3A_429, %dma_start3A_430, %dma_start3A_431, %dma_start3A_432] : memref<2x4x100x64xf32, #tpu.memory_space<vmem>> -> memref<1x1x50x64xf32, #tpu.memory_space<vmem>>
      %dma_start3A_434 = tpu.memref_squeeze %dma_start3A_433 : memref<1x1x50x64xf32, #tpu.memory_space<vmem>> -> memref<50x64xf32, #tpu.memory_space<vmem>>
      %dma_start3A_435 = arith.constant 0 : i32
      %dma_start3A_436 = arith.constant 0 : i32
      %dma_start3A_437 = tpu.memref_slice %arg4[%add3A_428, %dma_start3A_435, %dma_start3A_436] : memref<16384x50x64xf32, #tpu.memory_space<hbm>> -> memref<1x50x64xf32, #tpu.memory_space<hbm>>
      %dma_start3A_438 = tpu.memref_squeeze %dma_start3A_437 : memref<1x50x64xf32, #tpu.memory_space<hbm>> -> memref<50x64xf32, #tpu.memory_space<hbm>>
      %dma_start3A_439 = arith.constant 0 : i32
      %dma_start3A_440 = arith.constant 0 : i32
      %dma_start3A_441 = tpu.memref_slice %arg4[%add3A_428, %dma_start3A_439, %dma_start3A_440] : memref<16384x50x64xf32, #tpu.memory_space<hbm>> -> memref<1x50x64xf32, #tpu.memory_space<hbm>>
      %dma_start3A_442 = tpu.memref_squeeze %dma_start3A_441 : memref<1x50x64xf32, #tpu.memory_space<hbm>> -> memref<50x64xf32, #tpu.memory_space<hbm>>
      %dma_start3A_443 = arith.constant 50 : i32
      %dma_start3A_444 = arith.constant 0 : i32
      %dma_start3A_445 = tpu.memref_slice %arg6[%dma_start3A_429, %dma_start3A_430, %dma_start3A_443, %dma_start3A_444] : memref<2x4x100x64xf32, #tpu.memory_space<vmem>> -> memref<1x1x50x64xf32, #tpu.memory_space<vmem>>
      %dma_start3A_446 = tpu.memref_squeeze %dma_start3A_445 : memref<1x1x50x64xf32, #tpu.memory_space<vmem>> -> memref<50x64xf32, #tpu.memory_space<vmem>>
      tpu.enqueue_dma source(%dma_start3A_446 : memref<50x64xf32, #tpu.memory_space<vmem>>) target(%dma_start3A_442 : memref<50x64xf32, #tpu.memory_space<hbm>>) target_semaphore(%arg10 : memref<!tpu.dma_semaphore, #tpu.memory_space<semaphore_mem>>)
      %add3A_447 = arith.constant 2 : i32
      %add3A_448 = arith.addi %add3A_402, %add3A_447 : i32
      %add3A_449 = arith.constant 0 : i32
      %add3A_450 = arith.addi %add3A_448, %add3A_449 : i32
      %dma_start3A_451 = arith.constant 1 : i32
      %dma_start3A_452 = arith.constant 1 : i32
      %dma_start3A_453 = arith.constant 0 : i32
      %dma_start3A_454 = arith.constant 0 : i32
      %dma_start3A_455 = tpu.memref_slice %arg6[%dma_start3A_451, %dma_start3A_452, %dma_start3A_453, %dma_start3A_454] : memref<2x4x100x64xf32, #tpu.memory_space<vmem>> -> memref<1x1x50x64xf32, #tpu.memory_space<vmem>>
      %dma_start3A_456 = tpu.memref_squeeze %dma_start3A_455 : memref<1x1x50x64xf32, #tpu.memory_space<vmem>> -> memref<50x64xf32, #tpu.memory_space<vmem>>
      %dma_start3A_457 = arith.constant 0 : i32
      %dma_start3A_458 = arith.constant 0 : i32
      %dma_start3A_459 = tpu.memref_slice %arg4[%add3A_450, %dma_start3A_457, %dma_start3A_458] : memref<16384x50x64xf32, #tpu.memory_space<hbm>> -> memref<1x50x64xf32, #tpu.memory_space<hbm>>
      %dma_start3A_460 = tpu.memref_squeeze %dma_start3A_459 : memref<1x50x64xf32, #tpu.memory_space<hbm>> -> memref<50x64xf32, #tpu.memory_space<hbm>>
      %dma_start3A_461 = arith.constant 0 : i32
      %dma_start3A_462 = arith.constant 0 : i32
      %dma_start3A_463 = tpu.memref_slice %arg4[%add3A_450, %dma_start3A_461, %dma_start3A_462] : memref<16384x50x64xf32, #tpu.memory_space<hbm>> -> memref<1x50x64xf32, #tpu.memory_space<hbm>>
      %dma_start3A_464 = tpu.memref_squeeze %dma_start3A_463 : memref<1x50x64xf32, #tpu.memory_space<hbm>> -> memref<50x64xf32, #tpu.memory_space<hbm>>
      %dma_start3A_465 = arith.constant 0 : i32
      %dma_start3A_466 = arith.constant 0 : i32
      %dma_start3A_467 = tpu.memref_slice %arg6[%dma_start3A_451, %dma_start3A_452, %dma_start3A_465, %dma_start3A_466] : memref<2x4x100x64xf32, #tpu.memory_space<vmem>> -> memref<1x1x50x64xf32, #tpu.memory_space<vmem>>
      %dma_start3A_468 = tpu.memref_squeeze %dma_start3A_467 : memref<1x1x50x64xf32, #tpu.memory_space<vmem>> -> memref<50x64xf32, #tpu.memory_space<vmem>>
      tpu.enqueue_dma source(%dma_start3A_468 : memref<50x64xf32, #tpu.memory_space<vmem>>) target(%dma_start3A_464 : memref<50x64xf32, #tpu.memory_space<hbm>>) target_semaphore(%arg10 : memref<!tpu.dma_semaphore, #tpu.memory_space<semaphore_mem>>)
      %add3A_469 = arith.constant 2 : i32
      %add3A_470 = arith.addi %add3A_402, %add3A_469 : i32
      %add3A_471 = arith.constant 1 : i32
      %add3A_472 = arith.addi %add3A_470, %add3A_471 : i32
      %dma_start3A_473 = arith.constant 1 : i32
      %dma_start3A_474 = arith.constant 1 : i32
      %dma_start3A_475 = arith.constant 50 : i32
      %dma_start3A_476 = arith.constant 0 : i32
      %dma_start3A_477 = tpu.memref_slice %arg6[%dma_start3A_473, %dma_start3A_474, %dma_start3A_475, %dma_start3A_476] : memref<2x4x100x64xf32, #tpu.memory_space<vmem>> -> memref<1x1x50x64xf32, #tpu.memory_space<vmem>>
      %dma_start3A_478 = tpu.memref_squeeze %dma_start3A_477 : memref<1x1x50x64xf32, #tpu.memory_space<vmem>> -> memref<50x64xf32, #tpu.memory_space<vmem>>
      %dma_start3A_479 = arith.constant 0 : i32
      %dma_start3A_480 = arith.constant 0 : i32
      %dma_start3A_481 = tpu.memref_slice %arg4[%add3A_472, %dma_start3A_479, %dma_start3A_480] : memref<16384x50x64xf32, #tpu.memory_space<hbm>> -> memref<1x50x64xf32, #tpu.memory_space<hbm>>
      %dma_start3A_482 = tpu.memref_squeeze %dma_start3A_481 : memref<1x50x64xf32, #tpu.memory_space<hbm>> -> memref<50x64xf32, #tpu.memory_space<hbm>>
      %dma_start3A_483 = arith.constant 0 : i32
      %dma_start3A_484 = arith.constant 0 : i32
      %dma_start3A_485 = tpu.memref_slice %arg4[%add3A_472, %dma_start3A_483, %dma_start3A_484] : memref<16384x50x64xf32, #tpu.memory_space<hbm>> -> memref<1x50x64xf32, #tpu.memory_space<hbm>>
      %dma_start3A_486 = tpu.memref_squeeze %dma_start3A_485 : memref<1x50x64xf32, #tpu.memory_space<hbm>> -> memref<50x64xf32, #tpu.memory_space<hbm>>
      %dma_start3A_487 = arith.constant 50 : i32
      %dma_start3A_488 = arith.constant 0 : i32
      %dma_start3A_489 = tpu.memref_slice %arg6[%dma_start3A_473, %dma_start3A_474, %dma_start3A_487, %dma_start3A_488] : memref<2x4x100x64xf32, #tpu.memory_space<vmem>> -> memref<1x1x50x64xf32, #tpu.memory_space<vmem>>
      %dma_start3A_490 = tpu.memref_squeeze %dma_start3A_489 : memref<1x1x50x64xf32, #tpu.memory_space<vmem>> -> memref<50x64xf32, #tpu.memory_space<vmem>>
      tpu.enqueue_dma source(%dma_start3A_490 : memref<50x64xf32, #tpu.memory_space<vmem>>) target(%dma_start3A_486 : memref<50x64xf32, #tpu.memory_space<hbm>>) target_semaphore(%arg10 : memref<!tpu.dma_semaphore, #tpu.memory_space<semaphore_mem>>)
      %add3A_491 = arith.constant 4 : i32
      %add3A_492 = arith.addi %add3A_402, %add3A_491 : i32
      %add3A_493 = arith.constant 0 : i32
      %add3A_494 = arith.addi %add3A_492, %add3A_493 : i32
      %dma_start3A_495 = arith.constant 1 : i32
      %dma_start3A_496 = arith.constant 2 : i32
      %dma_start3A_497 = arith.constant 0 : i32
      %dma_start3A_498 = arith.constant 0 : i32
      %dma_start3A_499 = tpu.memref_slice %arg6[%dma_start3A_495, %dma_start3A_496, %dma_start3A_497, %dma_start3A_498] : memref<2x4x100x64xf32, #tpu.memory_space<vmem>> -> memref<1x1x50x64xf32, #tpu.memory_space<vmem>>
      %dma_start3A_500 = tpu.memref_squeeze %dma_start3A_499 : memref<1x1x50x64xf32, #tpu.memory_space<vmem>> -> memref<50x64xf32, #tpu.memory_space<vmem>>
      %dma_start3A_501 = arith.constant 0 : i32
      %dma_start3A_502 = arith.constant 0 : i32
      %dma_start3A_503 = tpu.memref_slice %arg4[%add3A_494, %dma_start3A_501, %dma_start3A_502] : memref<16384x50x64xf32, #tpu.memory_space<hbm>> -> memref<1x50x64xf32, #tpu.memory_space<hbm>>
      %dma_start3A_504 = tpu.memref_squeeze %dma_start3A_503 : memref<1x50x64xf32, #tpu.memory_space<hbm>> -> memref<50x64xf32, #tpu.memory_space<hbm>>
      %dma_start3A_505 = arith.constant 0 : i32
      %dma_start3A_506 = arith.constant 0 : i32
      %dma_start3A_507 = tpu.memref_slice %arg4[%add3A_494, %dma_start3A_505, %dma_start3A_506] : memref<16384x50x64xf32, #tpu.memory_space<hbm>> -> memref<1x50x64xf32, #tpu.memory_space<hbm>>
      %dma_start3A_508 = tpu.memref_squeeze %dma_start3A_507 : memref<1x50x64xf32, #tpu.memory_space<hbm>> -> memref<50x64xf32, #tpu.memory_space<hbm>>
      %dma_start3A_509 = arith.constant 0 : i32
      %dma_start3A_510 = arith.constant 0 : i32
      %dma_start3A_511 = tpu.memref_slice %arg6[%dma_start3A_495, %dma_start3A_496, %dma_start3A_509, %dma_start3A_510] : memref<2x4x100x64xf32, #tpu.memory_space<vmem>> -> memref<1x1x50x64xf32, #tpu.memory_space<vmem>>
      %dma_start3A_512 = tpu.memref_squeeze %dma_start3A_511 : memref<1x1x50x64xf32, #tpu.memory_space<vmem>> -> memref<50x64xf32, #tpu.memory_space<vmem>>
      tpu.enqueue_dma source(%dma_start3A_512 : memref<50x64xf32, #tpu.memory_space<vmem>>) target(%dma_start3A_508 : memref<50x64xf32, #tpu.memory_space<hbm>>) target_semaphore(%arg10 : memref<!tpu.dma_semaphore, #tpu.memory_space<semaphore_mem>>)
      %add3A_513 = arith.constant 4 : i32
      %add3A_514 = arith.addi %add3A_402, %add3A_513 : i32
      %add3A_515 = arith.constant 1 : i32
      %add3A_516 = arith.addi %add3A_514, %add3A_515 : i32
      %dma_start3A_517 = arith.constant 1 : i32
      %dma_start3A_518 = arith.constant 2 : i32
      %dma_start3A_519 = arith.constant 50 : i32
      %dma_start3A_520 = arith.constant 0 : i32
      %dma_start3A_521 = tpu.memref_slice %arg6[%dma_start3A_517, %dma_start3A_518, %dma_start3A_519, %dma_start3A_520] : memref<2x4x100x64xf32, #tpu.memory_space<vmem>> -> memref<1x1x50x64xf32, #tpu.memory_space<vmem>>
      %dma_start3A_522 = tpu.memref_squeeze %dma_start3A_521 : memref<1x1x50x64xf32, #tpu.memory_space<vmem>> -> memref<50x64xf32, #tpu.memory_space<vmem>>
      %dma_start3A_523 = arith.constant 0 : i32
      %dma_start3A_524 = arith.constant 0 : i32
      %dma_start3A_525 = tpu.memref_slice %arg4[%add3A_516, %dma_start3A_523, %dma_start3A_524] : memref<16384x50x64xf32, #tpu.memory_space<hbm>> -> memref<1x50x64xf32, #tpu.memory_space<hbm>>
      %dma_start3A_526 = tpu.memref_squeeze %dma_start3A_525 : memref<1x50x64xf32, #tpu.memory_space<hbm>> -> memref<50x64xf32, #tpu.memory_space<hbm>>
      %dma_start3A_527 = arith.constant 0 : i32
      %dma_start3A_528 = arith.constant 0 : i32
      %dma_start3A_529 = tpu.memref_slice %arg4[%add3A_516, %dma_start3A_527, %dma_start3A_528] : memref<16384x50x64xf32, #tpu.memory_space<hbm>> -> memref<1x50x64xf32, #tpu.memory_space<hbm>>
      %dma_start3A_530 = tpu.memref_squeeze %dma_start3A_529 : memref<1x50x64xf32, #tpu.memory_space<hbm>> -> memref<50x64xf32, #tpu.memory_space<hbm>>
      %dma_start3A_531 = arith.constant 50 : i32
      %dma_start3A_532 = arith.constant 0 : i32
      %dma_start3A_533 = tpu.memref_slice %arg6[%dma_start3A_517, %dma_start3A_518, %dma_start3A_531, %dma_start3A_532] : memref<2x4x100x64xf32, #tpu.memory_space<vmem>> -> memref<1x1x50x64xf32, #tpu.memory_space<vmem>>
      %dma_start3A_534 = tpu.memref_squeeze %dma_start3A_533 : memref<1x1x50x64xf32, #tpu.memory_space<vmem>> -> memref<50x64xf32, #tpu.memory_space<vmem>>
      tpu.enqueue_dma source(%dma_start3A_534 : memref<50x64xf32, #tpu.memory_space<vmem>>) target(%dma_start3A_530 : memref<50x64xf32, #tpu.memory_space<hbm>>) target_semaphore(%arg10 : memref<!tpu.dma_semaphore, #tpu.memory_space<semaphore_mem>>)
      %add3A_535 = arith.constant 6 : i32
      %add3A_536 = arith.addi %add3A_402, %add3A_535 : i32
      %add3A_537 = arith.constant 0 : i32
      %add3A_538 = arith.addi %add3A_536, %add3A_537 : i32
      %dma_start3A_539 = arith.constant 1 : i32
      %dma_start3A_540 = arith.constant 3 : i32
      %dma_start3A_541 = arith.constant 0 : i32
      %dma_start3A_542 = arith.constant 0 : i32
      %dma_start3A_543 = tpu.memref_slice %arg6[%dma_start3A_539, %dma_start3A_540, %dma_start3A_541, %dma_start3A_542] : memref<2x4x100x64xf32, #tpu.memory_space<vmem>> -> memref<1x1x50x64xf32, #tpu.memory_space<vmem>>
      %dma_start3A_544 = tpu.memref_squeeze %dma_start3A_543 : memref<1x1x50x64xf32, #tpu.memory_space<vmem>> -> memref<50x64xf32, #tpu.memory_space<vmem>>
      %dma_start3A_545 = arith.constant 0 : i32
      %dma_start3A_546 = arith.constant 0 : i32
      %dma_start3A_547 = tpu.memref_slice %arg4[%add3A_538, %dma_start3A_545, %dma_start3A_546] : memref<16384x50x64xf32, #tpu.memory_space<hbm>> -> memref<1x50x64xf32, #tpu.memory_space<hbm>>
      %dma_start3A_548 = tpu.memref_squeeze %dma_start3A_547 : memref<1x50x64xf32, #tpu.memory_space<hbm>> -> memref<50x64xf32, #tpu.memory_space<hbm>>
      %dma_start3A_549 = arith.constant 0 : i32
      %dma_start3A_550 = arith.constant 0 : i32
      %dma_start3A_551 = tpu.memref_slice %arg4[%add3A_538, %dma_start3A_549, %dma_start3A_550] : memref<16384x50x64xf32, #tpu.memory_space<hbm>> -> memref<1x50x64xf32, #tpu.memory_space<hbm>>
      %dma_start3A_552 = tpu.memref_squeeze %dma_start3A_551 : memref<1x50x64xf32, #tpu.memory_space<hbm>> -> memref<50x64xf32, #tpu.memory_space<hbm>>
      %dma_start3A_553 = arith.constant 0 : i32
      %dma_start3A_554 = arith.constant 0 : i32
      %dma_start3A_555 = tpu.memref_slice %arg6[%dma_start3A_539, %dma_start3A_540, %dma_start3A_553, %dma_start3A_554] : memref<2x4x100x64xf32, #tpu.memory_space<vmem>> -> memref<1x1x50x64xf32, #tpu.memory_space<vmem>>
      %dma_start3A_556 = tpu.memref_squeeze %dma_start3A_555 : memref<1x1x50x64xf32, #tpu.memory_space<vmem>> -> memref<50x64xf32, #tpu.memory_space<vmem>>
      tpu.enqueue_dma source(%dma_start3A_556 : memref<50x64xf32, #tpu.memory_space<vmem>>) target(%dma_start3A_552 : memref<50x64xf32, #tpu.memory_space<hbm>>) target_semaphore(%arg10 : memref<!tpu.dma_semaphore, #tpu.memory_space<semaphore_mem>>)
      %add3A_557 = arith.constant 6 : i32
      %add3A_558 = arith.addi %add3A_402, %add3A_557 : i32
      %add3A_559 = arith.constant 1 : i32
      %add3A_560 = arith.addi %add3A_558, %add3A_559 : i32
      %dma_start3A_561 = arith.constant 1 : i32
      %dma_start3A_562 = arith.constant 3 : i32
      %dma_start3A_563 = arith.constant 50 : i32
      %dma_start3A_564 = arith.constant 0 : i32
      %dma_start3A_565 = tpu.memref_slice %arg6[%dma_start3A_561, %dma_start3A_562, %dma_start3A_563, %dma_start3A_564] : memref<2x4x100x64xf32, #tpu.memory_space<vmem>> -> memref<1x1x50x64xf32, #tpu.memory_space<vmem>>
      %dma_start3A_566 = tpu.memref_squeeze %dma_start3A_565 : memref<1x1x50x64xf32, #tpu.memory_space<vmem>> -> memref<50x64xf32, #tpu.memory_space<vmem>>
      %dma_start3A_567 = arith.constant 0 : i32
      %dma_start3A_568 = arith.constant 0 : i32
      %dma_start3A_569 = tpu.memref_slice %arg4[%add3A_560, %dma_start3A_567, %dma_start3A_568] : memref<16384x50x64xf32, #tpu.memory_space<hbm>> -> memref<1x50x64xf32, #tpu.memory_space<hbm>>
      %dma_start3A_570 = tpu.memref_squeeze %dma_start3A_569 : memref<1x50x64xf32, #tpu.memory_space<hbm>> -> memref<50x64xf32, #tpu.memory_space<hbm>>
      %dma_start3A_571 = arith.constant 0 : i32
      %dma_start3A_572 = arith.constant 0 : i32
      %dma_start3A_573 = tpu.memref_slice %arg4[%add3A_560, %dma_start3A_571, %dma_start3A_572] : memref<16384x50x64xf32, #tpu.memory_space<hbm>> -> memref<1x50x64xf32, #tpu.memory_space<hbm>>
      %dma_start3A_574 = tpu.memref_squeeze %dma_start3A_573 : memref<1x50x64xf32, #tpu.memory_space<hbm>> -> memref<50x64xf32, #tpu.memory_space<hbm>>
      %dma_start3A_575 = arith.constant 50 : i32
      %dma_start3A_576 = arith.constant 0 : i32
      %dma_start3A_577 = tpu.memref_slice %arg6[%dma_start3A_561, %dma_start3A_562, %dma_start3A_575, %dma_start3A_576] : memref<2x4x100x64xf32, #tpu.memory_space<vmem>> -> memref<1x1x50x64xf32, #tpu.memory_space<vmem>>
      %dma_start3A_578 = tpu.memref_squeeze %dma_start3A_577 : memref<1x1x50x64xf32, #tpu.memory_space<vmem>> -> memref<50x64xf32, #tpu.memory_space<vmem>>
      tpu.enqueue_dma source(%dma_start3A_578 : memref<50x64xf32, #tpu.memory_space<vmem>>) target(%dma_start3A_574 : memref<50x64xf32, #tpu.memory_space<hbm>>) target_semaphore(%arg10 : memref<!tpu.dma_semaphore, #tpu.memory_space<semaphore_mem>>)
      %add3A_579 = arith.constant 0 : i32
      %add3A_580 = arith.addi %mul3A_2, %add3A_579 : i32
      %add3A_581 = arith.constant 0 : i32
      %add3A_582 = arith.addi %add3A_580, %add3A_581 : i32
      %dma_wait3A_583 = arith.constant 0 : i32
      %dma_wait3A_584 = arith.constant 0 : i32
      %dma_wait3A_585 = arith.constant 0 : i32
      %dma_wait3A_586 = arith.constant 0 : i32
      %dma_wait3A_587 = tpu.memref_slice %arg6[%dma_wait3A_583, %dma_wait3A_584, %dma_wait3A_585, %dma_wait3A_586] : memref<2x4x100x64xf32, #tpu.memory_space<vmem>> -> memref<1x1x50x64xf32, #tpu.memory_space<vmem>>
      %dma_wait3A_588 = tpu.memref_squeeze %dma_wait3A_587 : memref<1x1x50x64xf32, #tpu.memory_space<vmem>> -> memref<50x64xf32, #tpu.memory_space<vmem>>
      %dma_wait3A_589 = arith.constant 0 : i32
      %dma_wait3A_590 = arith.constant 0 : i32
      %dma_wait3A_591 = tpu.memref_slice %arg4[%add3A_582, %dma_wait3A_589, %dma_wait3A_590] : memref<16384x50x64xf32, #tpu.memory_space<hbm>> -> memref<1x50x64xf32, #tpu.memory_space<hbm>>
      %dma_wait3A_592 = tpu.memref_squeeze %dma_wait3A_591 : memref<1x50x64xf32, #tpu.memory_space<hbm>> -> memref<50x64xf32, #tpu.memory_space<hbm>>
      %dma_wait3A_593 = arith.constant 0 : i32
      %dma_wait3A_594 = arith.constant 0 : i32
      %dma_wait3A_595 = tpu.memref_slice %arg4[%add3A_582, %dma_wait3A_593, %dma_wait3A_594] : memref<16384x50x64xf32, #tpu.memory_space<hbm>> -> memref<1x50x64xf32, #tpu.memory_space<hbm>>
      %dma_wait3A_596 = tpu.memref_squeeze %dma_wait3A_595 : memref<1x50x64xf32, #tpu.memory_space<hbm>> -> memref<50x64xf32, #tpu.memory_space<hbm>>
      %dma_wait3A_597 = arith.constant 0 : i32
      %dma_wait3A_598 = arith.constant 0 : i32
      %dma_wait3A_599 = tpu.memref_slice %arg6[%dma_wait3A_583, %dma_wait3A_584, %dma_wait3A_597, %dma_wait3A_598] : memref<2x4x100x64xf32, #tpu.memory_space<vmem>> -> memref<1x1x50x64xf32, #tpu.memory_space<vmem>>
      %dma_wait3A_600 = tpu.memref_squeeze %dma_wait3A_599 : memref<1x1x50x64xf32, #tpu.memory_space<vmem>> -> memref<50x64xf32, #tpu.memory_space<vmem>>
      tpu.wait_dma2 semaphore(%arg9 : memref<!tpu.dma_semaphore, #tpu.memory_space<semaphore_mem>>) src(%dma_wait3A_600 : memref<50x64xf32, #tpu.memory_space<vmem>>) dst(%dma_wait3A_596 : memref<50x64xf32, #tpu.memory_space<hbm>>)
      %add3A_601 = arith.constant 0 : i32
      %add3A_602 = arith.addi %mul3A_2, %add3A_601 : i32
      %add3A_603 = arith.constant 1 : i32
      %add3A_604 = arith.addi %add3A_602, %add3A_603 : i32
      %dma_wait3A_605 = arith.constant 0 : i32
      %dma_wait3A_606 = arith.constant 0 : i32
      %dma_wait3A_607 = arith.constant 50 : i32
      %dma_wait3A_608 = arith.constant 0 : i32
      %dma_wait3A_609 = tpu.memref_slice %arg6[%dma_wait3A_605, %dma_wait3A_606, %dma_wait3A_607, %dma_wait3A_608] : memref<2x4x100x64xf32, #tpu.memory_space<vmem>> -> memref<1x1x50x64xf32, #tpu.memory_space<vmem>>
      %dma_wait3A_610 = tpu.memref_squeeze %dma_wait3A_609 : memref<1x1x50x64xf32, #tpu.memory_space<vmem>> -> memref<50x64xf32, #tpu.memory_space<vmem>>
      %dma_wait3A_611 = arith.constant 0 : i32
      %dma_wait3A_612 = arith.constant 0 : i32
      %dma_wait3A_613 = tpu.memref_slice %arg4[%add3A_604, %dma_wait3A_611, %dma_wait3A_612] : memref<16384x50x64xf32, #tpu.memory_space<hbm>> -> memref<1x50x64xf32, #tpu.memory_space<hbm>>
      %dma_wait3A_614 = tpu.memref_squeeze %dma_wait3A_613 : memref<1x50x64xf32, #tpu.memory_space<hbm>> -> memref<50x64xf32, #tpu.memory_space<hbm>>
      %dma_wait3A_615 = arith.constant 0 : i32
      %dma_wait3A_616 = arith.constant 0 : i32
      %dma_wait3A_617 = tpu.memref_slice %arg4[%add3A_604, %dma_wait3A_615, %dma_wait3A_616] : memref<16384x50x64xf32, #tpu.memory_space<hbm>> -> memref<1x50x64xf32, #tpu.memory_space<hbm>>
      %dma_wait3A_618 = tpu.memref_squeeze %dma_wait3A_617 : memref<1x50x64xf32, #tpu.memory_space<hbm>> -> memref<50x64xf32, #tpu.memory_space<hbm>>
      %dma_wait3A_619 = arith.constant 50 : i32
      %dma_wait3A_620 = arith.constant 0 : i32
      %dma_wait3A_621 = tpu.memref_slice %arg6[%dma_wait3A_605, %dma_wait3A_606, %dma_wait3A_619, %dma_wait3A_620] : memref<2x4x100x64xf32, #tpu.memory_space<vmem>> -> memref<1x1x50x64xf32, #tpu.memory_space<vmem>>
      %dma_wait3A_622 = tpu.memref_squeeze %dma_wait3A_621 : memref<1x1x50x64xf32, #tpu.memory_space<vmem>> -> memref<50x64xf32, #tpu.memory_space<vmem>>
      tpu.wait_dma2 semaphore(%arg9 : memref<!tpu.dma_semaphore, #tpu.memory_space<semaphore_mem>>) src(%dma_wait3A_622 : memref<50x64xf32, #tpu.memory_space<vmem>>) dst(%dma_wait3A_618 : memref<50x64xf32, #tpu.memory_space<hbm>>)
      %add3A_623 = arith.constant 2 : i32
      %add3A_624 = arith.addi %mul3A_2, %add3A_623 : i32
      %add3A_625 = arith.constant 0 : i32
      %add3A_626 = arith.addi %add3A_624, %add3A_625 : i32
      %dma_wait3A_627 = arith.constant 0 : i32
      %dma_wait3A_628 = arith.constant 1 : i32
      %dma_wait3A_629 = arith.constant 0 : i32
      %dma_wait3A_630 = arith.constant 0 : i32
      %dma_wait3A_631 = tpu.memref_slice %arg6[%dma_wait3A_627, %dma_wait3A_628, %dma_wait3A_629, %dma_wait3A_630] : memref<2x4x100x64xf32, #tpu.memory_space<vmem>> -> memref<1x1x50x64xf32, #tpu.memory_space<vmem>>
      %dma_wait3A_632 = tpu.memref_squeeze %dma_wait3A_631 : memref<1x1x50x64xf32, #tpu.memory_space<vmem>> -> memref<50x64xf32, #tpu.memory_space<vmem>>
      %dma_wait3A_633 = arith.constant 0 : i32
      %dma_wait3A_634 = arith.constant 0 : i32
      %dma_wait3A_635 = tpu.memref_slice %arg4[%add3A_626, %dma_wait3A_633, %dma_wait3A_634] : memref<16384x50x64xf32, #tpu.memory_space<hbm>> -> memref<1x50x64xf32, #tpu.memory_space<hbm>>
      %dma_wait3A_636 = tpu.memref_squeeze %dma_wait3A_635 : memref<1x50x64xf32, #tpu.memory_space<hbm>> -> memref<50x64xf32, #tpu.memory_space<hbm>>
      %dma_wait3A_637 = arith.constant 0 : i32
      %dma_wait3A_638 = arith.constant 0 : i32
      %dma_wait3A_639 = tpu.memref_slice %arg4[%add3A_626, %dma_wait3A_637, %dma_wait3A_638] : memref<16384x50x64xf32, #tpu.memory_space<hbm>> -> memref<1x50x64xf32, #tpu.memory_space<hbm>>
      %dma_wait3A_640 = tpu.memref_squeeze %dma_wait3A_639 : memref<1x50x64xf32, #tpu.memory_space<hbm>> -> memref<50x64xf32, #tpu.memory_space<hbm>>
      %dma_wait3A_641 = arith.constant 0 : i32
      %dma_wait3A_642 = arith.constant 0 : i32
      %dma_wait3A_643 = tpu.memref_slice %arg6[%dma_wait3A_627, %dma_wait3A_628, %dma_wait3A_641, %dma_wait3A_642] : memref<2x4x100x64xf32, #tpu.memory_space<vmem>> -> memref<1x1x50x64xf32, #tpu.memory_space<vmem>>
      %dma_wait3A_644 = tpu.memref_squeeze %dma_wait3A_643 : memref<1x1x50x64xf32, #tpu.memory_space<vmem>> -> memref<50x64xf32, #tpu.memory_space<vmem>>
      tpu.wait_dma2 semaphore(%arg9 : memref<!tpu.dma_semaphore, #tpu.memory_space<semaphore_mem>>) src(%dma_wait3A_644 : memref<50x64xf32, #tpu.memory_space<vmem>>) dst(%dma_wait3A_640 : memref<50x64xf32, #tpu.memory_space<hbm>>)
      %add3A_645 = arith.constant 2 : i32
      %add3A_646 = arith.addi %mul3A_2, %add3A_645 : i32
      %add3A_647 = arith.constant 1 : i32
      %add3A_648 = arith.addi %add3A_646, %add3A_647 : i32
      %dma_wait3A_649 = arith.constant 0 : i32
      %dma_wait3A_650 = arith.constant 1 : i32
      %dma_wait3A_651 = arith.constant 50 : i32
      %dma_wait3A_652 = arith.constant 0 : i32
      %dma_wait3A_653 = tpu.memref_slice %arg6[%dma_wait3A_649, %dma_wait3A_650, %dma_wait3A_651, %dma_wait3A_652] : memref<2x4x100x64xf32, #tpu.memory_space<vmem>> -> memref<1x1x50x64xf32, #tpu.memory_space<vmem>>
      %dma_wait3A_654 = tpu.memref_squeeze %dma_wait3A_653 : memref<1x1x50x64xf32, #tpu.memory_space<vmem>> -> memref<50x64xf32, #tpu.memory_space<vmem>>
      %dma_wait3A_655 = arith.constant 0 : i32
      %dma_wait3A_656 = arith.constant 0 : i32
      %dma_wait3A_657 = tpu.memref_slice %arg4[%add3A_648, %dma_wait3A_655, %dma_wait3A_656] : memref<16384x50x64xf32, #tpu.memory_space<hbm>> -> memref<1x50x64xf32, #tpu.memory_space<hbm>>
      %dma_wait3A_658 = tpu.memref_squeeze %dma_wait3A_657 : memref<1x50x64xf32, #tpu.memory_space<hbm>> -> memref<50x64xf32, #tpu.memory_space<hbm>>
      %dma_wait3A_659 = arith.constant 0 : i32
      %dma_wait3A_660 = arith.constant 0 : i32
      %dma_wait3A_661 = tpu.memref_slice %arg4[%add3A_648, %dma_wait3A_659, %dma_wait3A_660] : memref<16384x50x64xf32, #tpu.memory_space<hbm>> -> memref<1x50x64xf32, #tpu.memory_space<hbm>>
      %dma_wait3A_662 = tpu.memref_squeeze %dma_wait3A_661 : memref<1x50x64xf32, #tpu.memory_space<hbm>> -> memref<50x64xf32, #tpu.memory_space<hbm>>
      %dma_wait3A_663 = arith.constant 50 : i32
      %dma_wait3A_664 = arith.constant 0 : i32
      %dma_wait3A_665 = tpu.memref_slice %arg6[%dma_wait3A_649, %dma_wait3A_650, %dma_wait3A_663, %dma_wait3A_664] : memref<2x4x100x64xf32, #tpu.memory_space<vmem>> -> memref<1x1x50x64xf32, #tpu.memory_space<vmem>>
      %dma_wait3A_666 = tpu.memref_squeeze %dma_wait3A_665 : memref<1x1x50x64xf32, #tpu.memory_space<vmem>> -> memref<50x64xf32, #tpu.memory_space<vmem>>
      tpu.wait_dma2 semaphore(%arg9 : memref<!tpu.dma_semaphore, #tpu.memory_space<semaphore_mem>>) src(%dma_wait3A_666 : memref<50x64xf32, #tpu.memory_space<vmem>>) dst(%dma_wait3A_662 : memref<50x64xf32, #tpu.memory_space<hbm>>)
      %add3A_667 = arith.constant 4 : i32
      %add3A_668 = arith.addi %mul3A_2, %add3A_667 : i32
      %add3A_669 = arith.constant 0 : i32
      %add3A_670 = arith.addi %add3A_668, %add3A_669 : i32
      %dma_wait3A_671 = arith.constant 0 : i32
      %dma_wait3A_672 = arith.constant 2 : i32
      %dma_wait3A_673 = arith.constant 0 : i32
      %dma_wait3A_674 = arith.constant 0 : i32
      %dma_wait3A_675 = tpu.memref_slice %arg6[%dma_wait3A_671, %dma_wait3A_672, %dma_wait3A_673, %dma_wait3A_674] : memref<2x4x100x64xf32, #tpu.memory_space<vmem>> -> memref<1x1x50x64xf32, #tpu.memory_space<vmem>>
      %dma_wait3A_676 = tpu.memref_squeeze %dma_wait3A_675 : memref<1x1x50x64xf32, #tpu.memory_space<vmem>> -> memref<50x64xf32, #tpu.memory_space<vmem>>
      %dma_wait3A_677 = arith.constant 0 : i32
      %dma_wait3A_678 = arith.constant 0 : i32
      %dma_wait3A_679 = tpu.memref_slice %arg4[%add3A_670, %dma_wait3A_677, %dma_wait3A_678] : memref<16384x50x64xf32, #tpu.memory_space<hbm>> -> memref<1x50x64xf32, #tpu.memory_space<hbm>>
      %dma_wait3A_680 = tpu.memref_squeeze %dma_wait3A_679 : memref<1x50x64xf32, #tpu.memory_space<hbm>> -> memref<50x64xf32, #tpu.memory_space<hbm>>
      %dma_wait3A_681 = arith.constant 0 : i32
      %dma_wait3A_682 = arith.constant 0 : i32
      %dma_wait3A_683 = tpu.memref_slice %arg4[%add3A_670, %dma_wait3A_681, %dma_wait3A_682] : memref<16384x50x64xf32, #tpu.memory_space<hbm>> -> memref<1x50x64xf32, #tpu.memory_space<hbm>>
      %dma_wait3A_684 = tpu.memref_squeeze %dma_wait3A_683 : memref<1x50x64xf32, #tpu.memory_space<hbm>> -> memref<50x64xf32, #tpu.memory_space<hbm>>
      %dma_wait3A_685 = arith.constant 0 : i32
      %dma_wait3A_686 = arith.constant 0 : i32
      %dma_wait3A_687 = tpu.memref_slice %arg6[%dma_wait3A_671, %dma_wait3A_672, %dma_wait3A_685, %dma_wait3A_686] : memref<2x4x100x64xf32, #tpu.memory_space<vmem>> -> memref<1x1x50x64xf32, #tpu.memory_space<vmem>>
      %dma_wait3A_688 = tpu.memref_squeeze %dma_wait3A_687 : memref<1x1x50x64xf32, #tpu.memory_space<vmem>> -> memref<50x64xf32, #tpu.memory_space<vmem>>
      tpu.wait_dma2 semaphore(%arg9 : memref<!tpu.dma_semaphore, #tpu.memory_space<semaphore_mem>>) src(%dma_wait3A_688 : memref<50x64xf32, #tpu.memory_space<vmem>>) dst(%dma_wait3A_684 : memref<50x64xf32, #tpu.memory_space<hbm>>)
      %add3A_689 = arith.constant 4 : i32
      %add3A_690 = arith.addi %mul3A_2, %add3A_689 : i32
      %add3A_691 = arith.constant 1 : i32
      %add3A_692 = arith.addi %add3A_690, %add3A_691 : i32
      %dma_wait3A_693 = arith.constant 0 : i32
      %dma_wait3A_694 = arith.constant 2 : i32
      %dma_wait3A_695 = arith.constant 50 : i32
      %dma_wait3A_696 = arith.constant 0 : i32
      %dma_wait3A_697 = tpu.memref_slice %arg6[%dma_wait3A_693, %dma_wait3A_694, %dma_wait3A_695, %dma_wait3A_696] : memref<2x4x100x64xf32, #tpu.memory_space<vmem>> -> memref<1x1x50x64xf32, #tpu.memory_space<vmem>>
      %dma_wait3A_698 = tpu.memref_squeeze %dma_wait3A_697 : memref<1x1x50x64xf32, #tpu.memory_space<vmem>> -> memref<50x64xf32, #tpu.memory_space<vmem>>
      %dma_wait3A_699 = arith.constant 0 : i32
      %dma_wait3A_700 = arith.constant 0 : i32
      %dma_wait3A_701 = tpu.memref_slice %arg4[%add3A_692, %dma_wait3A_699, %dma_wait3A_700] : memref<16384x50x64xf32, #tpu.memory_space<hbm>> -> memref<1x50x64xf32, #tpu.memory_space<hbm>>
      %dma_wait3A_702 = tpu.memref_squeeze %dma_wait3A_701 : memref<1x50x64xf32, #tpu.memory_space<hbm>> -> memref<50x64xf32, #tpu.memory_space<hbm>>
      %dma_wait3A_703 = arith.constant 0 : i32
      %dma_wait3A_704 = arith.constant 0 : i32
      %dma_wait3A_705 = tpu.memref_slice %arg4[%add3A_692, %dma_wait3A_703, %dma_wait3A_704] : memref<16384x50x64xf32, #tpu.memory_space<hbm>> -> memref<1x50x64xf32, #tpu.memory_space<hbm>>
      %dma_wait3A_706 = tpu.memref_squeeze %dma_wait3A_705 : memref<1x50x64xf32, #tpu.memory_space<hbm>> -> memref<50x64xf32, #tpu.memory_space<hbm>>
      %dma_wait3A_707 = arith.constant 50 : i32
      %dma_wait3A_708 = arith.constant 0 : i32
      %dma_wait3A_709 = tpu.memref_slice %arg6[%dma_wait3A_693, %dma_wait3A_694, %dma_wait3A_707, %dma_wait3A_708] : memref<2x4x100x64xf32, #tpu.memory_space<vmem>> -> memref<1x1x50x64xf32, #tpu.memory_space<vmem>>
      %dma_wait3A_710 = tpu.memref_squeeze %dma_wait3A_709 : memref<1x1x50x64xf32, #tpu.memory_space<vmem>> -> memref<50x64xf32, #tpu.memory_space<vmem>>
      tpu.wait_dma2 semaphore(%arg9 : memref<!tpu.dma_semaphore, #tpu.memory_space<semaphore_mem>>) src(%dma_wait3A_710 : memref<50x64xf32, #tpu.memory_space<vmem>>) dst(%dma_wait3A_706 : memref<50x64xf32, #tpu.memory_space<hbm>>)
      %add3A_711 = arith.constant 6 : i32
      %add3A_712 = arith.addi %mul3A_2, %add3A_711 : i32
      %add3A_713 = arith.constant 0 : i32
      %add3A_714 = arith.addi %add3A_712, %add3A_713 : i32
      %dma_wait3A_715 = arith.constant 0 : i32
      %dma_wait3A_716 = arith.constant 3 : i32
      %dma_wait3A_717 = arith.constant 0 : i32
      %dma_wait3A_718 = arith.constant 0 : i32
      %dma_wait3A_719 = tpu.memref_slice %arg6[%dma_wait3A_715, %dma_wait3A_716, %dma_wait3A_717, %dma_wait3A_718] : memref<2x4x100x64xf32, #tpu.memory_space<vmem>> -> memref<1x1x50x64xf32, #tpu.memory_space<vmem>>
      %dma_wait3A_720 = tpu.memref_squeeze %dma_wait3A_719 : memref<1x1x50x64xf32, #tpu.memory_space<vmem>> -> memref<50x64xf32, #tpu.memory_space<vmem>>
      %dma_wait3A_721 = arith.constant 0 : i32
      %dma_wait3A_722 = arith.constant 0 : i32
      %dma_wait3A_723 = tpu.memref_slice %arg4[%add3A_714, %dma_wait3A_721, %dma_wait3A_722] : memref<16384x50x64xf32, #tpu.memory_space<hbm>> -> memref<1x50x64xf32, #tpu.memory_space<hbm>>
      %dma_wait3A_724 = tpu.memref_squeeze %dma_wait3A_723 : memref<1x50x64xf32, #tpu.memory_space<hbm>> -> memref<50x64xf32, #tpu.memory_space<hbm>>
      %dma_wait3A_725 = arith.constant 0 : i32
      %dma_wait3A_726 = arith.constant 0 : i32
      %dma_wait3A_727 = tpu.memref_slice %arg4[%add3A_714, %dma_wait3A_725, %dma_wait3A_726] : memref<16384x50x64xf32, #tpu.memory_space<hbm>> -> memref<1x50x64xf32, #tpu.memory_space<hbm>>
      %dma_wait3A_728 = tpu.memref_squeeze %dma_wait3A_727 : memref<1x50x64xf32, #tpu.memory_space<hbm>> -> memref<50x64xf32, #tpu.memory_space<hbm>>
      %dma_wait3A_729 = arith.constant 0 : i32
      %dma_wait3A_730 = arith.constant 0 : i32
      %dma_wait3A_731 = tpu.memref_slice %arg6[%dma_wait3A_715, %dma_wait3A_716, %dma_wait3A_729, %dma_wait3A_730] : memref<2x4x100x64xf32, #tpu.memory_space<vmem>> -> memref<1x1x50x64xf32, #tpu.memory_space<vmem>>
      %dma_wait3A_732 = tpu.memref_squeeze %dma_wait3A_731 : memref<1x1x50x64xf32, #tpu.memory_space<vmem>> -> memref<50x64xf32, #tpu.memory_space<vmem>>
      tpu.wait_dma2 semaphore(%arg9 : memref<!tpu.dma_semaphore, #tpu.memory_space<semaphore_mem>>) src(%dma_wait3A_732 : memref<50x64xf32, #tpu.memory_space<vmem>>) dst(%dma_wait3A_728 : memref<50x64xf32, #tpu.memory_space<hbm>>)
      %add3A_733 = arith.constant 6 : i32
      %add3A_734 = arith.addi %mul3A_2, %add3A_733 : i32
      %add3A_735 = arith.constant 1 : i32
      %add3A_736 = arith.addi %add3A_734, %add3A_735 : i32
      %dma_wait3A_737 = arith.constant 0 : i32
      %dma_wait3A_738 = arith.constant 3 : i32
      %dma_wait3A_739 = arith.constant 50 : i32
      %dma_wait3A_740 = arith.constant 0 : i32
      %dma_wait3A_741 = tpu.memref_slice %arg6[%dma_wait3A_737, %dma_wait3A_738, %dma_wait3A_739, %dma_wait3A_740] : memref<2x4x100x64xf32, #tpu.memory_space<vmem>> -> memref<1x1x50x64xf32, #tpu.memory_space<vmem>>
      %dma_wait3A_742 = tpu.memref_squeeze %dma_wait3A_741 : memref<1x1x50x64xf32, #tpu.memory_space<vmem>> -> memref<50x64xf32, #tpu.memory_space<vmem>>
      %dma_wait3A_743 = arith.constant 0 : i32
      %dma_wait3A_744 = arith.constant 0 : i32
      %dma_wait3A_745 = tpu.memref_slice %arg4[%add3A_736, %dma_wait3A_743, %dma_wait3A_744] : memref<16384x50x64xf32, #tpu.memory_space<hbm>> -> memref<1x50x64xf32, #tpu.memory_space<hbm>>
      %dma_wait3A_746 = tpu.memref_squeeze %dma_wait3A_745 : memref<1x50x64xf32, #tpu.memory_space<hbm>> -> memref<50x64xf32, #tpu.memory_space<hbm>>
      %dma_wait3A_747 = arith.constant 0 : i32
      %dma_wait3A_748 = arith.constant 0 : i32
      %dma_wait3A_749 = tpu.memref_slice %arg4[%add3A_736, %dma_wait3A_747, %dma_wait3A_748] : memref<16384x50x64xf32, #tpu.memory_space<hbm>> -> memref<1x50x64xf32, #tpu.memory_space<hbm>>
      %dma_wait3A_750 = tpu.memref_squeeze %dma_wait3A_749 : memref<1x50x64xf32, #tpu.memory_space<hbm>> -> memref<50x64xf32, #tpu.memory_space<hbm>>
      %dma_wait3A_751 = arith.constant 50 : i32
      %dma_wait3A_752 = arith.constant 0 : i32
      %dma_wait3A_753 = tpu.memref_slice %arg6[%dma_wait3A_737, %dma_wait3A_738, %dma_wait3A_751, %dma_wait3A_752] : memref<2x4x100x64xf32, #tpu.memory_space<vmem>> -> memref<1x1x50x64xf32, #tpu.memory_space<vmem>>
      %dma_wait3A_754 = tpu.memref_squeeze %dma_wait3A_753 : memref<1x1x50x64xf32, #tpu.memory_space<vmem>> -> memref<50x64xf32, #tpu.memory_space<vmem>>
      tpu.wait_dma2 semaphore(%arg9 : memref<!tpu.dma_semaphore, #tpu.memory_space<semaphore_mem>>) src(%dma_wait3A_754 : memref<50x64xf32, #tpu.memory_space<vmem>>) dst(%dma_wait3A_750 : memref<50x64xf32, #tpu.memory_space<hbm>>)
      %lt3A = arith.constant 31 : i32
      %lt3A_755 = arith.cmpi slt, %scan3A_113, %lt3A : i32
      %convert_element_type3A = arith.extui %lt3A_755 : i1 to i32
      %cond3A = arith.constant 0 : i32
      %cond3A_756 = arith.cmpi ne, %convert_element_type3A, %cond3A : i32
      scf.if %cond3A_756 {
        %add3A_938 = arith.constant 2 : i32
        %add3A_939 = arith.addi %mul3A_115, %add3A_938 : i32
        %mul3A_940 = arith.constant 4 : i32
        %mul3A_941 = arith.muli %add3A_939, %mul3A_940 : i32
        %add3A_942 = arith.constant 0 : i32
        %add3A_943 = arith.addi %mul3A_941, %add3A_942 : i32
        %dma_start3A_944 = arith.constant 0 : i32
        %dma_start3A_945 = arith.constant 0 : i32
        %dma_start3A_946 = arith.constant 0 : i32
        %dma_start3A_947 = arith.constant 0 : i32
        %dma_start3A_948 = tpu.memref_slice %arg6[%dma_start3A_944, %dma_start3A_945, %dma_start3A_946, %dma_start3A_947] : memref<2x4x100x64xf32, #tpu.memory_space<vmem>> -> memref<1x1x100x64xf32, #tpu.memory_space<vmem>>
        %dma_start3A_949 = tpu.memref_squeeze %dma_start3A_948 : memref<1x1x100x64xf32, #tpu.memory_space<vmem>> -> memref<100x64xf32, #tpu.memory_space<vmem>>
        %dma_start3A_950 = arith.constant 0 : i32
        %dma_start3A_951 = tpu.memref_slice %arg5[%add3A_943, %dma_start3A_950] : memref<256x100xi32, #tpu.memory_space<vmem>> -> memref<1x100xi32, #tpu.memory_space<vmem>>
        %dma_start3A_952 = tpu.memref_squeeze %dma_start3A_951 : memref<1x100xi32, #tpu.memory_space<vmem>> -> memref<100xi32, #tpu.memory_space<vmem>>
        %dma_start3A_953 = arith.constant 0 : i32
        %dma_start3A_954 = arith.constant 0 : i32
        %dma_start3A_955 = tpu.memref_slice %arg3[%dma_start3A_953, %dma_start3A_954] : memref<2000000x64xf32, #tpu.memory_space<hbm>> -> memref<2000000x64xf32, #tpu.memory_space<hbm>>
        tpu.enqueue_indirect_dma source(%dma_start3A_955 : memref<2000000x64xf32, #tpu.memory_space<hbm>>) target(%dma_start3A_949 : memref<100x64xf32, #tpu.memory_space<vmem>>) offsets(%dma_start3A_952 : memref<100xi32, #tpu.memory_space<vmem>>) semaphore(%arg7 : memref<!tpu.dma_semaphore, #tpu.memory_space<semaphore_mem>>)
        %mul3A_956 = arith.constant 4 : i32
        %mul3A_957 = arith.muli %add3A_939, %mul3A_956 : i32
        %add3A_958 = arith.constant 1 : i32
        %add3A_959 = arith.addi %mul3A_957, %add3A_958 : i32
        %dma_start3A_960 = arith.constant 0 : i32
        %dma_start3A_961 = arith.constant 1 : i32
        %dma_start3A_962 = arith.constant 0 : i32
        %dma_start3A_963 = arith.constant 0 : i32
        %dma_start3A_964 = tpu.memref_slice %arg6[%dma_start3A_960, %dma_start3A_961, %dma_start3A_962, %dma_start3A_963] : memref<2x4x100x64xf32, #tpu.memory_space<vmem>> -> memref<1x1x100x64xf32, #tpu.memory_space<vmem>>
        %dma_start3A_965 = tpu.memref_squeeze %dma_start3A_964 : memref<1x1x100x64xf32, #tpu.memory_space<vmem>> -> memref<100x64xf32, #tpu.memory_space<vmem>>
        %dma_start3A_966 = arith.constant 0 : i32
        %dma_start3A_967 = tpu.memref_slice %arg5[%add3A_959, %dma_start3A_966] : memref<256x100xi32, #tpu.memory_space<vmem>> -> memref<1x100xi32, #tpu.memory_space<vmem>>
        %dma_start3A_968 = tpu.memref_squeeze %dma_start3A_967 : memref<1x100xi32, #tpu.memory_space<vmem>> -> memref<100xi32, #tpu.memory_space<vmem>>
        %dma_start3A_969 = arith.constant 0 : i32
        %dma_start3A_970 = arith.constant 0 : i32
        %dma_start3A_971 = tpu.memref_slice %arg3[%dma_start3A_969, %dma_start3A_970] : memref<2000000x64xf32, #tpu.memory_space<hbm>> -> memref<2000000x64xf32, #tpu.memory_space<hbm>>
        tpu.enqueue_indirect_dma source(%dma_start3A_971 : memref<2000000x64xf32, #tpu.memory_space<hbm>>) target(%dma_start3A_965 : memref<100x64xf32, #tpu.memory_space<vmem>>) offsets(%dma_start3A_968 : memref<100xi32, #tpu.memory_space<vmem>>) semaphore(%arg7 : memref<!tpu.dma_semaphore, #tpu.memory_space<semaphore_mem>>)
        %mul3A_972 = arith.constant 4 : i32
        %mul3A_973 = arith.muli %add3A_939, %mul3A_972 : i32
        %add3A_974 = arith.constant 2 : i32
        %add3A_975 = arith.addi %mul3A_973, %add3A_974 : i32
        %dma_start3A_976 = arith.constant 0 : i32
        %dma_start3A_977 = arith.constant 2 : i32
        %dma_start3A_978 = arith.constant 0 : i32
        %dma_start3A_979 = arith.constant 0 : i32
        %dma_start3A_980 = tpu.memref_slice %arg6[%dma_start3A_976, %dma_start3A_977, %dma_start3A_978, %dma_start3A_979] : memref<2x4x100x64xf32, #tpu.memory_space<vmem>> -> memref<1x1x100x64xf32, #tpu.memory_space<vmem>>
        %dma_start3A_981 = tpu.memref_squeeze %dma_start3A_980 : memref<1x1x100x64xf32, #tpu.memory_space<vmem>> -> memref<100x64xf32, #tpu.memory_space<vmem>>
        %dma_start3A_982 = arith.constant 0 : i32
        %dma_start3A_983 = tpu.memref_slice %arg5[%add3A_975, %dma_start3A_982] : memref<256x100xi32, #tpu.memory_space<vmem>> -> memref<1x100xi32, #tpu.memory_space<vmem>>
        %dma_start3A_984 = tpu.memref_squeeze %dma_start3A_983 : memref<1x100xi32, #tpu.memory_space<vmem>> -> memref<100xi32, #tpu.memory_space<vmem>>
        %dma_start3A_985 = arith.constant 0 : i32
        %dma_start3A_986 = arith.constant 0 : i32
        %dma_start3A_987 = tpu.memref_slice %arg3[%dma_start3A_985, %dma_start3A_986] : memref<2000000x64xf32, #tpu.memory_space<hbm>> -> memref<2000000x64xf32, #tpu.memory_space<hbm>>
        tpu.enqueue_indirect_dma source(%dma_start3A_987 : memref<2000000x64xf32, #tpu.memory_space<hbm>>) target(%dma_start3A_981 : memref<100x64xf32, #tpu.memory_space<vmem>>) offsets(%dma_start3A_984 : memref<100xi32, #tpu.memory_space<vmem>>) semaphore(%arg7 : memref<!tpu.dma_semaphore, #tpu.memory_space<semaphore_mem>>)
        %mul3A_988 = arith.constant 4 : i32
        %mul3A_989 = arith.muli %add3A_939, %mul3A_988 : i32
        %add3A_990 = arith.constant 3 : i32
        %add3A_991 = arith.addi %mul3A_989, %add3A_990 : i32
        %dma_start3A_992 = arith.constant 0 : i32
        %dma_start3A_993 = arith.constant 3 : i32
        %dma_start3A_994 = arith.constant 0 : i32
        %dma_start3A_995 = arith.constant 0 : i32
        %dma_start3A_996 = tpu.memref_slice %arg6[%dma_start3A_992, %dma_start3A_993, %dma_start3A_994, %dma_start3A_995] : memref<2x4x100x64xf32, #tpu.memory_space<vmem>> -> memref<1x1x100x64xf32, #tpu.memory_space<vmem>>
        %dma_start3A_997 = tpu.memref_squeeze %dma_start3A_996 : memref<1x1x100x64xf32, #tpu.memory_space<vmem>> -> memref<100x64xf32, #tpu.memory_space<vmem>>
        %dma_start3A_998 = arith.constant 0 : i32
        %dma_start3A_999 = tpu.memref_slice %arg5[%add3A_991, %dma_start3A_998] : memref<256x100xi32, #tpu.memory_space<vmem>> -> memref<1x100xi32, #tpu.memory_space<vmem>>
        %dma_start3A_1000 = tpu.memref_squeeze %dma_start3A_999 : memref<1x100xi32, #tpu.memory_space<vmem>> -> memref<100xi32, #tpu.memory_space<vmem>>
        %dma_start3A_1001 = arith.constant 0 : i32
        %dma_start3A_1002 = arith.constant 0 : i32
        %dma_start3A_1003 = tpu.memref_slice %arg3[%dma_start3A_1001, %dma_start3A_1002] : memref<2000000x64xf32, #tpu.memory_space<hbm>> -> memref<2000000x64xf32, #tpu.memory_space<hbm>>
        tpu.enqueue_indirect_dma source(%dma_start3A_1003 : memref<2000000x64xf32, #tpu.memory_space<hbm>>) target(%dma_start3A_997 : memref<100x64xf32, #tpu.memory_space<vmem>>) offsets(%dma_start3A_1000 : memref<100xi32, #tpu.memory_space<vmem>>) semaphore(%arg7 : memref<!tpu.dma_semaphore, #tpu.memory_space<semaphore_mem>>)
      } else {
      }
      %add3A_757 = arith.constant 0 : i32
      %add3A_758 = arith.addi %mul3A_2, %add3A_757 : i32
      %add3A_759 = arith.constant 0 : i32
      %add3A_760 = arith.addi %add3A_758, %add3A_759 : i32
      %dma_wait3A_761 = arith.constant 1 : i32
      %dma_wait3A_762 = arith.constant 0 : i32
      %dma_wait3A_763 = arith.constant 0 : i32
      %dma_wait3A_764 = arith.constant 0 : i32
      %dma_wait3A_765 = tpu.memref_slice %arg6[%dma_wait3A_761, %dma_wait3A_762, %dma_wait3A_763, %dma_wait3A_764] : memref<2x4x100x64xf32, #tpu.memory_space<vmem>> -> memref<1x1x50x64xf32, #tpu.memory_space<vmem>>
      %dma_wait3A_766 = tpu.memref_squeeze %dma_wait3A_765 : memref<1x1x50x64xf32, #tpu.memory_space<vmem>> -> memref<50x64xf32, #tpu.memory_space<vmem>>
      %dma_wait3A_767 = arith.constant 0 : i32
      %dma_wait3A_768 = arith.constant 0 : i32
      %dma_wait3A_769 = tpu.memref_slice %arg4[%add3A_760, %dma_wait3A_767, %dma_wait3A_768] : memref<16384x50x64xf32, #tpu.memory_space<hbm>> -> memref<1x50x64xf32, #tpu.memory_space<hbm>>
      %dma_wait3A_770 = tpu.memref_squeeze %dma_wait3A_769 : memref<1x50x64xf32, #tpu.memory_space<hbm>> -> memref<50x64xf32, #tpu.memory_space<hbm>>
      %dma_wait3A_771 = arith.constant 0 : i32
      %dma_wait3A_772 = arith.constant 0 : i32
      %dma_wait3A_773 = tpu.memref_slice %arg4[%add3A_760, %dma_wait3A_771, %dma_wait3A_772] : memref<16384x50x64xf32, #tpu.memory_space<hbm>> -> memref<1x50x64xf32, #tpu.memory_space<hbm>>
      %dma_wait3A_774 = tpu.memref_squeeze %dma_wait3A_773 : memref<1x50x64xf32, #tpu.memory_space<hbm>> -> memref<50x64xf32, #tpu.memory_space<hbm>>
      %dma_wait3A_775 = arith.constant 0 : i32
      %dma_wait3A_776 = arith.constant 0 : i32
      %dma_wait3A_777 = tpu.memref_slice %arg6[%dma_wait3A_761, %dma_wait3A_762, %dma_wait3A_775, %dma_wait3A_776] : memref<2x4x100x64xf32, #tpu.memory_space<vmem>> -> memref<1x1x50x64xf32, #tpu.memory_space<vmem>>
      %dma_wait3A_778 = tpu.memref_squeeze %dma_wait3A_777 : memref<1x1x50x64xf32, #tpu.memory_space<vmem>> -> memref<50x64xf32, #tpu.memory_space<vmem>>
      tpu.wait_dma2 semaphore(%arg10 : memref<!tpu.dma_semaphore, #tpu.memory_space<semaphore_mem>>) src(%dma_wait3A_778 : memref<50x64xf32, #tpu.memory_space<vmem>>) dst(%dma_wait3A_774 : memref<50x64xf32, #tpu.memory_space<hbm>>)
      %add3A_779 = arith.constant 0 : i32
      %add3A_780 = arith.addi %mul3A_2, %add3A_779 : i32
      %add3A_781 = arith.constant 1 : i32
      %add3A_782 = arith.addi %add3A_780, %add3A_781 : i32
      %dma_wait3A_783 = arith.constant 1 : i32
      %dma_wait3A_784 = arith.constant 0 : i32
      %dma_wait3A_785 = arith.constant 50 : i32
      %dma_wait3A_786 = arith.constant 0 : i32
      %dma_wait3A_787 = tpu.memref_slice %arg6[%dma_wait3A_783, %dma_wait3A_784, %dma_wait3A_785, %dma_wait3A_786] : memref<2x4x100x64xf32, #tpu.memory_space<vmem>> -> memref<1x1x50x64xf32, #tpu.memory_space<vmem>>
      %dma_wait3A_788 = tpu.memref_squeeze %dma_wait3A_787 : memref<1x1x50x64xf32, #tpu.memory_space<vmem>> -> memref<50x64xf32, #tpu.memory_space<vmem>>
      %dma_wait3A_789 = arith.constant 0 : i32
      %dma_wait3A_790 = arith.constant 0 : i32
      %dma_wait3A_791 = tpu.memref_slice %arg4[%add3A_782, %dma_wait3A_789, %dma_wait3A_790] : memref<16384x50x64xf32, #tpu.memory_space<hbm>> -> memref<1x50x64xf32, #tpu.memory_space<hbm>>
      %dma_wait3A_792 = tpu.memref_squeeze %dma_wait3A_791 : memref<1x50x64xf32, #tpu.memory_space<hbm>> -> memref<50x64xf32, #tpu.memory_space<hbm>>
      %dma_wait3A_793 = arith.constant 0 : i32
      %dma_wait3A_794 = arith.constant 0 : i32
      %dma_wait3A_795 = tpu.memref_slice %arg4[%add3A_782, %dma_wait3A_793, %dma_wait3A_794] : memref<16384x50x64xf32, #tpu.memory_space<hbm>> -> memref<1x50x64xf32, #tpu.memory_space<hbm>>
      %dma_wait3A_796 = tpu.memref_squeeze %dma_wait3A_795 : memref<1x50x64xf32, #tpu.memory_space<hbm>> -> memref<50x64xf32, #tpu.memory_space<hbm>>
      %dma_wait3A_797 = arith.constant 50 : i32
      %dma_wait3A_798 = arith.constant 0 : i32
      %dma_wait3A_799 = tpu.memref_slice %arg6[%dma_wait3A_783, %dma_wait3A_784, %dma_wait3A_797, %dma_wait3A_798] : memref<2x4x100x64xf32, #tpu.memory_space<vmem>> -> memref<1x1x50x64xf32, #tpu.memory_space<vmem>>
      %dma_wait3A_800 = tpu.memref_squeeze %dma_wait3A_799 : memref<1x1x50x64xf32, #tpu.memory_space<vmem>> -> memref<50x64xf32, #tpu.memory_space<vmem>>
      tpu.wait_dma2 semaphore(%arg10 : memref<!tpu.dma_semaphore, #tpu.memory_space<semaphore_mem>>) src(%dma_wait3A_800 : memref<50x64xf32, #tpu.memory_space<vmem>>) dst(%dma_wait3A_796 : memref<50x64xf32, #tpu.memory_space<hbm>>)
      %add3A_801 = arith.constant 2 : i32
      %add3A_802 = arith.addi %mul3A_2, %add3A_801 : i32
      %add3A_803 = arith.constant 0 : i32
      %add3A_804 = arith.addi %add3A_802, %add3A_803 : i32
      %dma_wait3A_805 = arith.constant 1 : i32
      %dma_wait3A_806 = arith.constant 1 : i32
      %dma_wait3A_807 = arith.constant 0 : i32
      %dma_wait3A_808 = arith.constant 0 : i32
      %dma_wait3A_809 = tpu.memref_slice %arg6[%dma_wait3A_805, %dma_wait3A_806, %dma_wait3A_807, %dma_wait3A_808] : memref<2x4x100x64xf32, #tpu.memory_space<vmem>> -> memref<1x1x50x64xf32, #tpu.memory_space<vmem>>
      %dma_wait3A_810 = tpu.memref_squeeze %dma_wait3A_809 : memref<1x1x50x64xf32, #tpu.memory_space<vmem>> -> memref<50x64xf32, #tpu.memory_space<vmem>>
      %dma_wait3A_811 = arith.constant 0 : i32
      %dma_wait3A_812 = arith.constant 0 : i32
      %dma_wait3A_813 = tpu.memref_slice %arg4[%add3A_804, %dma_wait3A_811, %dma_wait3A_812] : memref<16384x50x64xf32, #tpu.memory_space<hbm>> -> memref<1x50x64xf32, #tpu.memory_space<hbm>>
      %dma_wait3A_814 = tpu.memref_squeeze %dma_wait3A_813 : memref<1x50x64xf32, #tpu.memory_space<hbm>> -> memref<50x64xf32, #tpu.memory_space<hbm>>
      %dma_wait3A_815 = arith.constant 0 : i32
      %dma_wait3A_816 = arith.constant 0 : i32
      %dma_wait3A_817 = tpu.memref_slice %arg4[%add3A_804, %dma_wait3A_815, %dma_wait3A_816] : memref<16384x50x64xf32, #tpu.memory_space<hbm>> -> memref<1x50x64xf32, #tpu.memory_space<hbm>>
      %dma_wait3A_818 = tpu.memref_squeeze %dma_wait3A_817 : memref<1x50x64xf32, #tpu.memory_space<hbm>> -> memref<50x64xf32, #tpu.memory_space<hbm>>
      %dma_wait3A_819 = arith.constant 0 : i32
      %dma_wait3A_820 = arith.constant 0 : i32
      %dma_wait3A_821 = tpu.memref_slice %arg6[%dma_wait3A_805, %dma_wait3A_806, %dma_wait3A_819, %dma_wait3A_820] : memref<2x4x100x64xf32, #tpu.memory_space<vmem>> -> memref<1x1x50x64xf32, #tpu.memory_space<vmem>>
      %dma_wait3A_822 = tpu.memref_squeeze %dma_wait3A_821 : memref<1x1x50x64xf32, #tpu.memory_space<vmem>> -> memref<50x64xf32, #tpu.memory_space<vmem>>
      tpu.wait_dma2 semaphore(%arg10 : memref<!tpu.dma_semaphore, #tpu.memory_space<semaphore_mem>>) src(%dma_wait3A_822 : memref<50x64xf32, #tpu.memory_space<vmem>>) dst(%dma_wait3A_818 : memref<50x64xf32, #tpu.memory_space<hbm>>)
      %add3A_823 = arith.constant 2 : i32
      %add3A_824 = arith.addi %mul3A_2, %add3A_823 : i32
      %add3A_825 = arith.constant 1 : i32
      %add3A_826 = arith.addi %add3A_824, %add3A_825 : i32
      %dma_wait3A_827 = arith.constant 1 : i32
      %dma_wait3A_828 = arith.constant 1 : i32
      %dma_wait3A_829 = arith.constant 50 : i32
      %dma_wait3A_830 = arith.constant 0 : i32
      %dma_wait3A_831 = tpu.memref_slice %arg6[%dma_wait3A_827, %dma_wait3A_828, %dma_wait3A_829, %dma_wait3A_830] : memref<2x4x100x64xf32, #tpu.memory_space<vmem>> -> memref<1x1x50x64xf32, #tpu.memory_space<vmem>>
      %dma_wait3A_832 = tpu.memref_squeeze %dma_wait3A_831 : memref<1x1x50x64xf32, #tpu.memory_space<vmem>> -> memref<50x64xf32, #tpu.memory_space<vmem>>
      %dma_wait3A_833 = arith.constant 0 : i32
      %dma_wait3A_834 = arith.constant 0 : i32
      %dma_wait3A_835 = tpu.memref_slice %arg4[%add3A_826, %dma_wait3A_833, %dma_wait3A_834] : memref<16384x50x64xf32, #tpu.memory_space<hbm>> -> memref<1x50x64xf32, #tpu.memory_space<hbm>>
      %dma_wait3A_836 = tpu.memref_squeeze %dma_wait3A_835 : memref<1x50x64xf32, #tpu.memory_space<hbm>> -> memref<50x64xf32, #tpu.memory_space<hbm>>
      %dma_wait3A_837 = arith.constant 0 : i32
      %dma_wait3A_838 = arith.constant 0 : i32
      %dma_wait3A_839 = tpu.memref_slice %arg4[%add3A_826, %dma_wait3A_837, %dma_wait3A_838] : memref<16384x50x64xf32, #tpu.memory_space<hbm>> -> memref<1x50x64xf32, #tpu.memory_space<hbm>>
      %dma_wait3A_840 = tpu.memref_squeeze %dma_wait3A_839 : memref<1x50x64xf32, #tpu.memory_space<hbm>> -> memref<50x64xf32, #tpu.memory_space<hbm>>
      %dma_wait3A_841 = arith.constant 50 : i32
      %dma_wait3A_842 = arith.constant 0 : i32
      %dma_wait3A_843 = tpu.memref_slice %arg6[%dma_wait3A_827, %dma_wait3A_828, %dma_wait3A_841, %dma_wait3A_842] : memref<2x4x100x64xf32, #tpu.memory_space<vmem>> -> memref<1x1x50x64xf32, #tpu.memory_space<vmem>>
      %dma_wait3A_844 = tpu.memref_squeeze %dma_wait3A_843 : memref<1x1x50x64xf32, #tpu.memory_space<vmem>> -> memref<50x64xf32, #tpu.memory_space<vmem>>
      tpu.wait_dma2 semaphore(%arg10 : memref<!tpu.dma_semaphore, #tpu.memory_space<semaphore_mem>>) src(%dma_wait3A_844 : memref<50x64xf32, #tpu.memory_space<vmem>>) dst(%dma_wait3A_840 : memref<50x64xf32, #tpu.memory_space<hbm>>)
      %add3A_845 = arith.constant 4 : i32
      %add3A_846 = arith.addi %mul3A_2, %add3A_845 : i32
      %add3A_847 = arith.constant 0 : i32
      %add3A_848 = arith.addi %add3A_846, %add3A_847 : i32
      %dma_wait3A_849 = arith.constant 1 : i32
      %dma_wait3A_850 = arith.constant 2 : i32
      %dma_wait3A_851 = arith.constant 0 : i32
      %dma_wait3A_852 = arith.constant 0 : i32
      %dma_wait3A_853 = tpu.memref_slice %arg6[%dma_wait3A_849, %dma_wait3A_850, %dma_wait3A_851, %dma_wait3A_852] : memref<2x4x100x64xf32, #tpu.memory_space<vmem>> -> memref<1x1x50x64xf32, #tpu.memory_space<vmem>>
      %dma_wait3A_854 = tpu.memref_squeeze %dma_wait3A_853 : memref<1x1x50x64xf32, #tpu.memory_space<vmem>> -> memref<50x64xf32, #tpu.memory_space<vmem>>
      %dma_wait3A_855 = arith.constant 0 : i32
      %dma_wait3A_856 = arith.constant 0 : i32
      %dma_wait3A_857 = tpu.memref_slice %arg4[%add3A_848, %dma_wait3A_855, %dma_wait3A_856] : memref<16384x50x64xf32, #tpu.memory_space<hbm>> -> memref<1x50x64xf32, #tpu.memory_space<hbm>>
      %dma_wait3A_858 = tpu.memref_squeeze %dma_wait3A_857 : memref<1x50x64xf32, #tpu.memory_space<hbm>> -> memref<50x64xf32, #tpu.memory_space<hbm>>
      %dma_wait3A_859 = arith.constant 0 : i32
      %dma_wait3A_860 = arith.constant 0 : i32
      %dma_wait3A_861 = tpu.memref_slice %arg4[%add3A_848, %dma_wait3A_859, %dma_wait3A_860] : memref<16384x50x64xf32, #tpu.memory_space<hbm>> -> memref<1x50x64xf32, #tpu.memory_space<hbm>>
      %dma_wait3A_862 = tpu.memref_squeeze %dma_wait3A_861 : memref<1x50x64xf32, #tpu.memory_space<hbm>> -> memref<50x64xf32, #tpu.memory_space<hbm>>
      %dma_wait3A_863 = arith.constant 0 : i32
      %dma_wait3A_864 = arith.constant 0 : i32
      %dma_wait3A_865 = tpu.memref_slice %arg6[%dma_wait3A_849, %dma_wait3A_850, %dma_wait3A_863, %dma_wait3A_864] : memref<2x4x100x64xf32, #tpu.memory_space<vmem>> -> memref<1x1x50x64xf32, #tpu.memory_space<vmem>>
      %dma_wait3A_866 = tpu.memref_squeeze %dma_wait3A_865 : memref<1x1x50x64xf32, #tpu.memory_space<vmem>> -> memref<50x64xf32, #tpu.memory_space<vmem>>
      tpu.wait_dma2 semaphore(%arg10 : memref<!tpu.dma_semaphore, #tpu.memory_space<semaphore_mem>>) src(%dma_wait3A_866 : memref<50x64xf32, #tpu.memory_space<vmem>>) dst(%dma_wait3A_862 : memref<50x64xf32, #tpu.memory_space<hbm>>)
      %add3A_867 = arith.constant 4 : i32
      %add3A_868 = arith.addi %mul3A_2, %add3A_867 : i32
      %add3A_869 = arith.constant 1 : i32
      %add3A_870 = arith.addi %add3A_868, %add3A_869 : i32
      %dma_wait3A_871 = arith.constant 1 : i32
      %dma_wait3A_872 = arith.constant 2 : i32
      %dma_wait3A_873 = arith.constant 50 : i32
      %dma_wait3A_874 = arith.constant 0 : i32
      %dma_wait3A_875 = tpu.memref_slice %arg6[%dma_wait3A_871, %dma_wait3A_872, %dma_wait3A_873, %dma_wait3A_874] : memref<2x4x100x64xf32, #tpu.memory_space<vmem>> -> memref<1x1x50x64xf32, #tpu.memory_space<vmem>>
      %dma_wait3A_876 = tpu.memref_squeeze %dma_wait3A_875 : memref<1x1x50x64xf32, #tpu.memory_space<vmem>> -> memref<50x64xf32, #tpu.memory_space<vmem>>
      %dma_wait3A_877 = arith.constant 0 : i32
      %dma_wait3A_878 = arith.constant 0 : i32
      %dma_wait3A_879 = tpu.memref_slice %arg4[%add3A_870, %dma_wait3A_877, %dma_wait3A_878] : memref<16384x50x64xf32, #tpu.memory_space<hbm>> -> memref<1x50x64xf32, #tpu.memory_space<hbm>>
      %dma_wait3A_880 = tpu.memref_squeeze %dma_wait3A_879 : memref<1x50x64xf32, #tpu.memory_space<hbm>> -> memref<50x64xf32, #tpu.memory_space<hbm>>
      %dma_wait3A_881 = arith.constant 0 : i32
      %dma_wait3A_882 = arith.constant 0 : i32
      %dma_wait3A_883 = tpu.memref_slice %arg4[%add3A_870, %dma_wait3A_881, %dma_wait3A_882] : memref<16384x50x64xf32, #tpu.memory_space<hbm>> -> memref<1x50x64xf32, #tpu.memory_space<hbm>>
      %dma_wait3A_884 = tpu.memref_squeeze %dma_wait3A_883 : memref<1x50x64xf32, #tpu.memory_space<hbm>> -> memref<50x64xf32, #tpu.memory_space<hbm>>
      %dma_wait3A_885 = arith.constant 50 : i32
      %dma_wait3A_886 = arith.constant 0 : i32
      %dma_wait3A_887 = tpu.memref_slice %arg6[%dma_wait3A_871, %dma_wait3A_872, %dma_wait3A_885, %dma_wait3A_886] : memref<2x4x100x64xf32, #tpu.memory_space<vmem>> -> memref<1x1x50x64xf32, #tpu.memory_space<vmem>>
      %dma_wait3A_888 = tpu.memref_squeeze %dma_wait3A_887 : memref<1x1x50x64xf32, #tpu.memory_space<vmem>> -> memref<50x64xf32, #tpu.memory_space<vmem>>
      tpu.wait_dma2 semaphore(%arg10 : memref<!tpu.dma_semaphore, #tpu.memory_space<semaphore_mem>>) src(%dma_wait3A_888 : memref<50x64xf32, #tpu.memory_space<vmem>>) dst(%dma_wait3A_884 : memref<50x64xf32, #tpu.memory_space<hbm>>)
      %add3A_889 = arith.constant 6 : i32
      %add3A_890 = arith.addi %mul3A_2, %add3A_889 : i32
      %add3A_891 = arith.constant 0 : i32
      %add3A_892 = arith.addi %add3A_890, %add3A_891 : i32
      %dma_wait3A_893 = arith.constant 1 : i32
      %dma_wait3A_894 = arith.constant 3 : i32
      %dma_wait3A_895 = arith.constant 0 : i32
      %dma_wait3A_896 = arith.constant 0 : i32
      %dma_wait3A_897 = tpu.memref_slice %arg6[%dma_wait3A_893, %dma_wait3A_894, %dma_wait3A_895, %dma_wait3A_896] : memref<2x4x100x64xf32, #tpu.memory_space<vmem>> -> memref<1x1x50x64xf32, #tpu.memory_space<vmem>>
      %dma_wait3A_898 = tpu.memref_squeeze %dma_wait3A_897 : memref<1x1x50x64xf32, #tpu.memory_space<vmem>> -> memref<50x64xf32, #tpu.memory_space<vmem>>
      %dma_wait3A_899 = arith.constant 0 : i32
      %dma_wait3A_900 = arith.constant 0 : i32
      %dma_wait3A_901 = tpu.memref_slice %arg4[%add3A_892, %dma_wait3A_899, %dma_wait3A_900] : memref<16384x50x64xf32, #tpu.memory_space<hbm>> -> memref<1x50x64xf32, #tpu.memory_space<hbm>>
      %dma_wait3A_902 = tpu.memref_squeeze %dma_wait3A_901 : memref<1x50x64xf32, #tpu.memory_space<hbm>> -> memref<50x64xf32, #tpu.memory_space<hbm>>
      %dma_wait3A_903 = arith.constant 0 : i32
      %dma_wait3A_904 = arith.constant 0 : i32
      %dma_wait3A_905 = tpu.memref_slice %arg4[%add3A_892, %dma_wait3A_903, %dma_wait3A_904] : memref<16384x50x64xf32, #tpu.memory_space<hbm>> -> memref<1x50x64xf32, #tpu.memory_space<hbm>>
      %dma_wait3A_906 = tpu.memref_squeeze %dma_wait3A_905 : memref<1x50x64xf32, #tpu.memory_space<hbm>> -> memref<50x64xf32, #tpu.memory_space<hbm>>
      %dma_wait3A_907 = arith.constant 0 : i32
      %dma_wait3A_908 = arith.constant 0 : i32
      %dma_wait3A_909 = tpu.memref_slice %arg6[%dma_wait3A_893, %dma_wait3A_894, %dma_wait3A_907, %dma_wait3A_908] : memref<2x4x100x64xf32, #tpu.memory_space<vmem>> -> memref<1x1x50x64xf32, #tpu.memory_space<vmem>>
      %dma_wait3A_910 = tpu.memref_squeeze %dma_wait3A_909 : memref<1x1x50x64xf32, #tpu.memory_space<vmem>> -> memref<50x64xf32, #tpu.memory_space<vmem>>
      tpu.wait_dma2 semaphore(%arg10 : memref<!tpu.dma_semaphore, #tpu.memory_space<semaphore_mem>>) src(%dma_wait3A_910 : memref<50x64xf32, #tpu.memory_space<vmem>>) dst(%dma_wait3A_906 : memref<50x64xf32, #tpu.memory_space<hbm>>)
      %add3A_911 = arith.constant 6 : i32
      %add3A_912 = arith.addi %mul3A_2, %add3A_911 : i32
      %add3A_913 = arith.constant 1 : i32
      %add3A_914 = arith.addi %add3A_912, %add3A_913 : i32
      %dma_wait3A_915 = arith.constant 1 : i32
      %dma_wait3A_916 = arith.constant 3 : i32
      %dma_wait3A_917 = arith.constant 50 : i32
      %dma_wait3A_918 = arith.constant 0 : i32
      %dma_wait3A_919 = tpu.memref_slice %arg6[%dma_wait3A_915, %dma_wait3A_916, %dma_wait3A_917, %dma_wait3A_918] : memref<2x4x100x64xf32, #tpu.memory_space<vmem>> -> memref<1x1x50x64xf32, #tpu.memory_space<vmem>>
      %dma_wait3A_920 = tpu.memref_squeeze %dma_wait3A_919 : memref<1x1x50x64xf32, #tpu.memory_space<vmem>> -> memref<50x64xf32, #tpu.memory_space<vmem>>
      %dma_wait3A_921 = arith.constant 0 : i32
      %dma_wait3A_922 = arith.constant 0 : i32
      %dma_wait3A_923 = tpu.memref_slice %arg4[%add3A_914, %dma_wait3A_921, %dma_wait3A_922] : memref<16384x50x64xf32, #tpu.memory_space<hbm>> -> memref<1x50x64xf32, #tpu.memory_space<hbm>>
      %dma_wait3A_924 = tpu.memref_squeeze %dma_wait3A_923 : memref<1x50x64xf32, #tpu.memory_space<hbm>> -> memref<50x64xf32, #tpu.memory_space<hbm>>
      %dma_wait3A_925 = arith.constant 0 : i32
      %dma_wait3A_926 = arith.constant 0 : i32
      %dma_wait3A_927 = tpu.memref_slice %arg4[%add3A_914, %dma_wait3A_925, %dma_wait3A_926] : memref<16384x50x64xf32, #tpu.memory_space<hbm>> -> memref<1x50x64xf32, #tpu.memory_space<hbm>>
      %dma_wait3A_928 = tpu.memref_squeeze %dma_wait3A_927 : memref<1x50x64xf32, #tpu.memory_space<hbm>> -> memref<50x64xf32, #tpu.memory_space<hbm>>
      %dma_wait3A_929 = arith.constant 50 : i32
      %dma_wait3A_930 = arith.constant 0 : i32
      %dma_wait3A_931 = tpu.memref_slice %arg6[%dma_wait3A_915, %dma_wait3A_916, %dma_wait3A_929, %dma_wait3A_930] : memref<2x4x100x64xf32, #tpu.memory_space<vmem>> -> memref<1x1x50x64xf32, #tpu.memory_space<vmem>>
      %dma_wait3A_932 = tpu.memref_squeeze %dma_wait3A_931 : memref<1x1x50x64xf32, #tpu.memory_space<vmem>> -> memref<50x64xf32, #tpu.memory_space<vmem>>
      tpu.wait_dma2 semaphore(%arg10 : memref<!tpu.dma_semaphore, #tpu.memory_space<semaphore_mem>>) src(%dma_wait3A_932 : memref<50x64xf32, #tpu.memory_space<vmem>>) dst(%dma_wait3A_928 : memref<50x64xf32, #tpu.memory_space<hbm>>)
      %lt3A_933 = arith.constant 31 : i32
      %lt3A_934 = arith.cmpi slt, %scan3A_113, %lt3A_933 : i32
      %convert_element_type3A_935 = arith.extui %lt3A_934 : i1 to i32
      %cond3A_936 = arith.constant 0 : i32
      %cond3A_937 = arith.cmpi ne, %convert_element_type3A_935, %cond3A_936 : i32
      scf.if %cond3A_937 {
        %add3A_938 = arith.constant 2 : i32
        %add3A_939 = arith.addi %add3A_117, %add3A_938 : i32
        %mul3A_940 = arith.constant 4 : i32
        %mul3A_941 = arith.muli %add3A_939, %mul3A_940 : i32
        %add3A_942 = arith.constant 0 : i32
        %add3A_943 = arith.addi %mul3A_941, %add3A_942 : i32
        %dma_start3A_944 = arith.constant 1 : i32
        %dma_start3A_945 = arith.constant 0 : i32
        %dma_start3A_946 = arith.constant 0 : i32
        %dma_start3A_947 = arith.constant 0 : i32
        %dma_start3A_948 = tpu.memref_slice %arg6[%dma_start3A_944, %dma_start3A_945, %dma_start3A_946, %dma_start3A_947] : memref<2x4x100x64xf32, #tpu.memory_space<vmem>> -> memref<1x1x100x64xf32, #tpu.memory_space<vmem>>
        %dma_start3A_949 = tpu.memref_squeeze %dma_start3A_948 : memref<1x1x100x64xf32, #tpu.memory_space<vmem>> -> memref<100x64xf32, #tpu.memory_space<vmem>>
        %dma_start3A_950 = arith.constant 0 : i32
        %dma_start3A_951 = tpu.memref_slice %arg5[%add3A_943, %dma_start3A_950] : memref<256x100xi32, #tpu.memory_space<vmem>> -> memref<1x100xi32, #tpu.memory_space<vmem>>
        %dma_start3A_952 = tpu.memref_squeeze %dma_start3A_951 : memref<1x100xi32, #tpu.memory_space<vmem>> -> memref<100xi32, #tpu.memory_space<vmem>>
        %dma_start3A_953 = arith.constant 0 : i32
        %dma_start3A_954 = arith.constant 0 : i32
        %dma_start3A_955 = tpu.memref_slice %arg3[%dma_start3A_953, %dma_start3A_954] : memref<2000000x64xf32, #tpu.memory_space<hbm>> -> memref<2000000x64xf32, #tpu.memory_space<hbm>>
        tpu.enqueue_indirect_dma source(%dma_start3A_955 : memref<2000000x64xf32, #tpu.memory_space<hbm>>) target(%dma_start3A_949 : memref<100x64xf32, #tpu.memory_space<vmem>>) offsets(%dma_start3A_952 : memref<100xi32, #tpu.memory_space<vmem>>) semaphore(%arg8 : memref<!tpu.dma_semaphore, #tpu.memory_space<semaphore_mem>>)
        %mul3A_956 = arith.constant 4 : i32
        %mul3A_957 = arith.muli %add3A_939, %mul3A_956 : i32
        %add3A_958 = arith.constant 1 : i32
        %add3A_959 = arith.addi %mul3A_957, %add3A_958 : i32
        %dma_start3A_960 = arith.constant 1 : i32
        %dma_start3A_961 = arith.constant 1 : i32
        %dma_start3A_962 = arith.constant 0 : i32
        %dma_start3A_963 = arith.constant 0 : i32
        %dma_start3A_964 = tpu.memref_slice %arg6[%dma_start3A_960, %dma_start3A_961, %dma_start3A_962, %dma_start3A_963] : memref<2x4x100x64xf32, #tpu.memory_space<vmem>> -> memref<1x1x100x64xf32, #tpu.memory_space<vmem>>
        %dma_start3A_965 = tpu.memref_squeeze %dma_start3A_964 : memref<1x1x100x64xf32, #tpu.memory_space<vmem>> -> memref<100x64xf32, #tpu.memory_space<vmem>>
        %dma_start3A_966 = arith.constant 0 : i32
        %dma_start3A_967 = tpu.memref_slice %arg5[%add3A_959, %dma_start3A_966] : memref<256x100xi32, #tpu.memory_space<vmem>> -> memref<1x100xi32, #tpu.memory_space<vmem>>
        %dma_start3A_968 = tpu.memref_squeeze %dma_start3A_967 : memref<1x100xi32, #tpu.memory_space<vmem>> -> memref<100xi32, #tpu.memory_space<vmem>>
        %dma_start3A_969 = arith.constant 0 : i32
        %dma_start3A_970 = arith.constant 0 : i32
        %dma_start3A_971 = tpu.memref_slice %arg3[%dma_start3A_969, %dma_start3A_970] : memref<2000000x64xf32, #tpu.memory_space<hbm>> -> memref<2000000x64xf32, #tpu.memory_space<hbm>>
        tpu.enqueue_indirect_dma source(%dma_start3A_971 : memref<2000000x64xf32, #tpu.memory_space<hbm>>) target(%dma_start3A_965 : memref<100x64xf32, #tpu.memory_space<vmem>>) offsets(%dma_start3A_968 : memref<100xi32, #tpu.memory_space<vmem>>) semaphore(%arg8 : memref<!tpu.dma_semaphore, #tpu.memory_space<semaphore_mem>>)
        %mul3A_972 = arith.constant 4 : i32
        %mul3A_973 = arith.muli %add3A_939, %mul3A_972 : i32
        %add3A_974 = arith.constant 2 : i32
        %add3A_975 = arith.addi %mul3A_973, %add3A_974 : i32
        %dma_start3A_976 = arith.constant 1 : i32
        %dma_start3A_977 = arith.constant 2 : i32
        %dma_start3A_978 = arith.constant 0 : i32
        %dma_start3A_979 = arith.constant 0 : i32
        %dma_start3A_980 = tpu.memref_slice %arg6[%dma_start3A_976, %dma_start3A_977, %dma_start3A_978, %dma_start3A_979] : memref<2x4x100x64xf32, #tpu.memory_space<vmem>> -> memref<1x1x100x64xf32, #tpu.memory_space<vmem>>
        %dma_start3A_981 = tpu.memref_squeeze %dma_start3A_980 : memref<1x1x100x64xf32, #tpu.memory_space<vmem>> -> memref<100x64xf32, #tpu.memory_space<vmem>>
        %dma_start3A_982 = arith.constant 0 : i32
        %dma_start3A_983 = tpu.memref_slice %arg5[%add3A_975, %dma_start3A_982] : memref<256x100xi32, #tpu.memory_space<vmem>> -> memref<1x100xi32, #tpu.memory_space<vmem>>
        %dma_start3A_984 = tpu.memref_squeeze %dma_start3A_983 : memref<1x100xi32, #tpu.memory_space<vmem>> -> memref<100xi32, #tpu.memory_space<vmem>>
        %dma_start3A_985 = arith.constant 0 : i32
        %dma_start3A_986 = arith.constant 0 : i32
        %dma_start3A_987 = tpu.memref_slice %arg3[%dma_start3A_985, %dma_start3A_986] : memref<2000000x64xf32, #tpu.memory_space<hbm>> -> memref<2000000x64xf32, #tpu.memory_space<hbm>>
        tpu.enqueue_indirect_dma source(%dma_start3A_987 : memref<2000000x64xf32, #tpu.memory_space<hbm>>) target(%dma_start3A_981 : memref<100x64xf32, #tpu.memory_space<vmem>>) offsets(%dma_start3A_984 : memref<100xi32, #tpu.memory_space<vmem>>) semaphore(%arg8 : memref<!tpu.dma_semaphore, #tpu.memory_space<semaphore_mem>>)
        %mul3A_988 = arith.constant 4 : i32
        %mul3A_989 = arith.muli %add3A_939, %mul3A_988 : i32
        %add3A_990 = arith.constant 3 : i32
        %add3A_991 = arith.addi %mul3A_989, %add3A_990 : i32
        %dma_start3A_992 = arith.constant 1 : i32
        %dma_start3A_993 = arith.constant 3 : i32
        %dma_start3A_994 = arith.constant 0 : i32
        %dma_start3A_995 = arith.constant 0 : i32
        %dma_start3A_996 = tpu.memref_slice %arg6[%dma_start3A_992, %dma_start3A_993, %dma_start3A_994, %dma_start3A_995] : memref<2x4x100x64xf32, #tpu.memory_space<vmem>> -> memref<1x1x100x64xf32, #tpu.memory_space<vmem>>
        %dma_start3A_997 = tpu.memref_squeeze %dma_start3A_996 : memref<1x1x100x64xf32, #tpu.memory_space<vmem>> -> memref<100x64xf32, #tpu.memory_space<vmem>>
        %dma_start3A_998 = arith.constant 0 : i32
        %dma_start3A_999 = tpu.memref_slice %arg5[%add3A_991, %dma_start3A_998] : memref<256x100xi32, #tpu.memory_space<vmem>> -> memref<1x100xi32, #tpu.memory_space<vmem>>
        %dma_start3A_1000 = tpu.memref_squeeze %dma_start3A_999 : memref<1x100xi32, #tpu.memory_space<vmem>> -> memref<100xi32, #tpu.memory_space<vmem>>
        %dma_start3A_1001 = arith.constant 0 : i32
        %dma_start3A_1002 = arith.constant 0 : i32
        %dma_start3A_1003 = tpu.memref_slice %arg3[%dma_start3A_1001, %dma_start3A_1002] : memref<2000000x64xf32, #tpu.memory_space<hbm>> -> memref<2000000x64xf32, #tpu.memory_space<hbm>>
        tpu.enqueue_indirect_dma source(%dma_start3A_1003 : memref<2000000x64xf32, #tpu.memory_space<hbm>>) target(%dma_start3A_997 : memref<100x64xf32, #tpu.memory_space<vmem>>) offsets(%dma_start3A_1000 : memref<100xi32, #tpu.memory_space<vmem>>) semaphore(%arg8 : memref<!tpu.dma_semaphore, #tpu.memory_space<semaphore_mem>>)
      } else {
      }
    }
    %scan3A_112 = arith.constant 32 : i32
    return
  }
}

</mosaic_0001>

<sc_bundles>
// kernel: kernel.3.cloned.1.call-start
scs
__scs_entry_jumppad:
0x0: {  	(pc) =	sbr.rel $0x88, $3  }
0x1: {  	(tag) =	ssettag $0x0;
	lr =	simm.s32 $0x1  }
0x2: {  	[smem:$0x3F9F] =	sst lr;
	_ =	strace $0xD0000000  }
0x3: {  	_ = 	snop  }
0x4: {  	_ = 	snop  }
0x5: {  	_ = 	snop  }
0x6: {  	_ = 	snop  }
0x7: {  	_ = 	snop  }
__scs_overlays_trampoline_lowered:
0x8: {  	[smem:$0x3FAE] =	sst s0  }
0x9: {  	[smem:$0x3FAF] =	sst s1  }
0xa: {  	[smem:$0x3FB0] =	sst s2  }
0xb: {  	[smem:$0x3FB1] =	sst s3  }
0xc: {  	[smem:$0x3FB2] =	sst s4  }
0xd: {  	[smem:$0x3FB3] =	sst s5  }
0xe: {  	[smem:$0x3FB4] =	sst s6  }
0xf: {  	[smem:$0x3FB5] =	sst s7  }
0x10: {  	[smem:$0x3FB6] =	sst s8  }
0x11: {  	[smem:$0x3FB7] =	sst s9;
	s0 =	simm.s32 @!p0 $0x0  }
0x12: {  	s1 =	sld [smem:$0x3F9D];
	s0 =	simm.s32 @p0 $0x1  }
0x13: {  	[smem:$0x3FB8] =	sst s0;
	s0 =	simm.s32 @!p1 $0x0  }
0x14: {  	s2 =	sld [smem:$0x3F9C];
	s0 =	simm.s32 @p1 $0x1  }
0x15: {  	[smem:$0x3FB9] =	sst s0;
	s0 =	simm.s32 @!p2 $0x0  }
0x16: {  	s3 =	sld [smem:$0x3FDB];
	s0 =	simm.s32 @p2 $0x1  }
0x17: {  	s4 =	simm.s32 $0x1BF5;
	[smem:$0x3FBB] =	sst s0  }
0x18: {  	s0 =	sld [smem:$0x3F9E];
	_ =	swait.ge [sflag:s4], $0x0  }
0x19: {  	s7 =	sld [smem:$0x3F9F]  }
0x1a: {  	s8 =	sadd.s32 $0xFFFFE003, lr  }
0x1b: {  	s9 =	sadd.s32 $0xFFFFFEF7, lr;
	s5 =	simm.s32 $0xFFFFFFFF;
	p2 =	slt.u32 s8, $0xFFFFF086  }
0x1c: {  	p1 =	slt.u32 s9, $0xF7A;
	s5 =	simm.s32 @!p2 $0x0  }
0x1d: {  	s5 =	simm.s32 @p1 $0x1;
	p0 =	seq.s32 s7, s2  }
0x1e: {  	s7 =	smul.u32 @!p0 $0xF7A, s2;
	p2 =	seq.s32 @!p0 s5, $0x0  }
0x1f: {  	s9 =	smul.u32 $0xF7A, s1;
	s8 =	simm.s32 @!p0 $0x1BF5;
	p2 =	por !p2, p0  }
0x20: {  	[sflag:s8] =	ssyncset.s32 @!p0 $0xFFFFF086;
	s6 =	sadd.s32 @!p0 s3, s7;
	s7 =	simm.s32 @!p0 $0x108  }
0x21: {  	s3 =	sadd.s32 s3, s9;
	s6 =	sadd.s32 @!p0 $0x88, s6;
	s7 =	simm.s32 @p2 $0x1082  }
0x22: {  	[simem:s7], [sflag:s8] =	dma.local @!p0 [hbm:s6], $0xF7A  }
0x23: {  	s9 =	sor.u32 $0xD0000000, s2;
	s6 =	simm.s32 $0x108;
	_ =	swait.ge @!p0 [sflag:s8], $0x0  }
0x24: {  	s3 =	sadd.s32 $0x88, s3;
	s6 =	simm.s32 @!p1 $0x1082;
	[sflag:s4] =	ssyncset.s32 $0xFFFFF086  }
0x25: {  	[simem:s6], [sflag:s4] =	dma.local [hbm:s3], $0xF7A  }
0x26: {  	[smem:$0x3F9F] =	sst s1;
	(tag) =	ssettag s2;
	_ =	strace s9  }
0x27: {  	s1 =	sld [smem:$0x3FAF]  }
0x28: {  	s2 =	sld [smem:$0x3FB0]  }
0x29: {  	s4 =	sld [smem:$0x3FB2]  }
0x2a: {  	p0 =	seq.s32 s5, $0x0;
	s5 =	sld [smem:$0x3FB3]  }
0x2b: {  	s6 =	sld [smem:$0x3FB4]  }
0x2c: {  	s7 =	sld [smem:$0x3FB5]  }
0x2d: {  	s3 =	simm.s32 $0x108;
	s8 =	sld [smem:$0x3FB6]  }
0x2e: {  	s3 =	simm.s32 @!p0 $0x1082;
	s9 =	sld [smem:$0x3FB7]  }
0x2f: {  	lr =	sadd.s32 s0, s3;
	s0 =	sld [smem:$0x3FAE]  }
0x30: {  	s3 =	sld [smem:$0x3FB1]  }
0x31: {  	[smem:$0x3FBA] =	sst s10  }
0x32: {  	s10 =	sld [smem:$0x3FB8];
	_ =	sdelay $0x3  }
0x33: {  	p0 =	seq.s32 s10, $0x1;
	s10 =	sld [smem:$0x3FBA];
	_ =	sdelay $0x3  }
0x34: {  	[smem:$0x3FBA] =	sst s10  }
0x35: {  	s10 =	sld [smem:$0x3FB9];
	_ =	sdelay $0x3  }
0x36: {  	p1 =	seq.s32 s10, $0x1;
	s10 =	sld [smem:$0x3FBA];
	_ =	sdelay $0x3  }
0x37: {  	[smem:$0x3FBA] =	sst s10  }
0x38: {  	s10 =	sld [smem:$0x3FBB]  }
0x39: {  	_ = 	snop;
	(pc) =	sbr.ind lr, $3  }
0x3a: {  	_ = 	snop  }
0x3b: {  	_ = 	snop  }
0x3c: {  	p2 =	seq.s32 s10, $0x1;
	s10 =	sld [smem:$0x3FBA]  }
0x3d: {  	_ =	shalt  }
0x3e: {  	_ =	shalt  }
0x3f: {  	_ =	shalt  }
0x40: {  	_ =	shalt  }
0x41: {  	_ =	shalt  }
0x42: {  	_ =	shalt  }
0x43: {  	_ =	shalt  }
0x44: {  	_ =	shalt  }
0x45: {  	_ =	shalt  }
0x46: {  	_ =	shalt  }
0x47: {  	_ =	shalt  }
0x48: {  	_ =	shalt  }
0x49: {  	_ =	shalt  }
0x4a: {  	_ =	shalt  }
0x4b: {  	_ =	shalt  }
0x4c: {  	_ =	shalt  }
0x4d: {  	_ =	shalt  }
0x4e: {  	_ =	shalt  }
0x4f: {  	_ =	shalt  }
0x50: {  	_ =	shalt  }
0x51: {  	_ =	shalt  }
0x52: {  	_ =	shalt  }
0x53: {  	_ =	shalt  }
0x54: {  	_ =	shalt  }
0x55: {  	_ =	shalt  }
0x56: {  	_ =	shalt  }
0x57: {  	_ =	shalt  }
0x58: {  	_ =	shalt  }
0x59: {  	_ =	shalt  }
0x5a: {  	_ =	shalt  }
0x5b: {  	_ =	shalt  }
0x5c: {  	_ =	shalt  }
0x5d: {  	_ =	shalt  }
0x5e: {  	_ =	shalt  }
0x5f: {  	_ =	shalt  }
0x60: {  	_ =	shalt  }
0x61: {  	_ =	shalt  }
0x62: {  	_ =	shalt  }
0x63: {  	_ =	shalt  }
0x64: {  	_ =	shalt  }
0x65: {  	_ =	shalt  }
0x66: {  	_ =	shalt  }
0x67: {  	_ =	shalt  }
0x68: {  	_ =	shalt  }
0x69: {  	_ =	shalt  }
0x6a: {  	_ =	shalt  }
0x6b: {  	_ =	shalt  }
0x6c: {  	_ =	shalt  }
0x6d: {  	_ =	shalt  }
0x6e: {  	_ =	shalt  }
0x6f: {  	_ =	shalt  }
0x70: {  	_ =	shalt  }
0x71: {  	_ =	shalt  }
0x72: {  	_ =	shalt  }
0x73: {  	_ =	shalt  }
0x74: {  	_ =	shalt  }
0x75: {  	_ =	shalt  }
0x76: {  	_ =	shalt  }
0x77: {  	_ =	shalt  }
0x78: {  	_ =	shalt  }
0x79: {  	_ =	shalt  }
0x7a: {  	_ =	shalt  }
0x7b: {  	_ =	shalt  }
0x7c: {  	_ =	shalt  }
0x7d: {  	_ =	shalt  }
0x7e: {  	_ =	shalt  }
0x7f: {  	_ =	shalt  }
0x80: {  	_ =	shalt  }
0x81: {  	_ =	shalt  }
0x82: {  	_ =	shalt  }
0x83: {  	_ =	shalt  }
0x84: {  	_ =	shalt  }
0x85: {  	_ =	shalt  }
0x86: {  	_ =	shalt  }
0x87: {  	_ =	shalt  }
.Lfunc_end0:
.L_simem_size_0:
called_computation.2_lowered:
.L_overlay_start_0:
0x88: {  	s2 =	sld [smem:$0x3FD9]  }
0x89: {  	s3 =	sld [smem:$0x3FFE];
	_ =	sdelay $0x1  }
0x8a: {  	s1 =	srdreg.scid  }
0x8b: {  	s0 =	sand.u32 $0x1, s1  }
0x8c: {  	s17 =	sshll.u32 s0, $0xA;
	s2 =	sadd.s32 s3, s2  }
0x8d: {  	s2 =	sadd.s32 s2, s17  }
0x8e: {  	[smem:$0x3FC6] =	sst s2  }
0x8f: {  	_ = 	snop  }
0x90: {  	s2 =	sld [smem:$0x3FD0];
	(tm) =	ssettm $0x1  }
0x91: {  	s18 =	sld [smem:$0x3FFB];
	_ =	sdelay $0x3  }
0x92: {  	_ =	strace s18  }
0x93: {  	s3 =	sld [smem:$0x3FFC];
	_ =	sdelay $0x3  }
0x94: {  	_ =	strace s3  }
0x95: {  	s3 =	sld [smem:$0x3FFD];
	_ =	sdelay $0x3  }
0x96: {  	_ =	strace s3  }
0x97: {  	_ =	strace $0x8FFFFFFF  }
0x98: {  	s19 =	sld [smem:$0x3FDB];
	_ =	sdelay $0x1  }
0x99: {  	s4 =	simm.s32 $_scs_section_size  }
0x9a: {  	s5 =	simm.s32 $_size__tile_overlayer_lowered;
	s6 =	simm.s32 $_tile_overlayer_lowered  }
0x9b: {  	s22 =	simm.s32 $0x1BFF;
	s21 =	sshll.u32 s6, $0x1;
	s3 =	sadd.s32 s4, s19  }
0x9c: {  	s7 =	simm.s32 $0x0;
	s20 =	sshll.u32 s5, $0x1;
	s5 =	sadd.s32 s21, s3  }
0x9d: {  	[timem:s7], [sflag:s22] =	dma.local [hbm:s5], s20  }
0x9e: {  	_ =	swait.ge [sflag:s22], s20  }
0x9f: {  	s4 =	ssub.s32 $0x0, s20;
	[sflag:s22] =	ssyncset.done $0x0  }
0xa0: {  	[sflag:s22] =	ssyncadd.s32 s4;
	_ =	sdelay $0x1  }
0xa1: {  	s23 =	simm.s32 $0x1B8B  }
0xa2: {  	_ =	swait.ge [sflag:s23], $0x1  }
0xa3: {  	[sflag:s23] =	ssyncset.done $0x0  }
0xa4: {  	s25 =	simm.s32 $0x1B8E;
	s24 =	sld [smem:$0x3FFE];
	[sflag:s23] =	ssyncadd.s32 $0xFFFFFFFF  }
0xa5: {  	s26 =	simm.s32 $execute0_lowered;
	[smem:$0x3FD2] =	sst s25  }
0xa6: {  	s5 =	sshll.u32 s26, $0x1;
	_ =	strace $0x80000049;
	[dreg:$0x1] =	wrdreg $0xFFFFFFFF  }
0xa7: {  	s28 =	simm.s32 $_size_execute0_lowered;
	s3 =	sadd.s32 s3, s5;
	[dreg:$0x0] =	wrdreg $0x0  }
0xa8: {  	s5 =	sshll.u32 s28, $0x1;
	[dreg:$0x2] =	wrdreg s3  }
0xa9: {  	[dreg:$0x3] =	wrdreg s5  }
0xaa: {  	[dreg:$0x4] =	wrdreg $0xC0  }
0xab: {  	_ =	task [dreg:s7], $0x5FFFF  }
0xac: {  	[dreg:$0x1] =	wrdreg $0xFFFFFFFF  }
0xad: {  	[dreg:$0x0] =	wrdreg $0x60  }
0xae: {  	[dreg:$0x2] =	wrdreg s24  }
0xaf: {  	[dreg:$0x3] =	wrdreg s2  }
0xb0: {  	[dreg:$0x4] =	wrdreg $0x9  }
0xb1: {  	_ =	task.clear_ibuf [dreg:s7], $0x5FFFF;
	_ =	strace $0x90000049  }
0xb2: {  	s29 =	simm.s32 $0x9;
	_ =	strace $0x8000004B  }
0xb3: {  	_ =	swait.ge [sflag:s29], $0x1  }
0xb4: {  	[sflag:s29] =	ssyncadd.s32 $0xFFFFFFFF  }
0xb5: {  	_ =	strace $0x9000004B  }
0xb6: {  	_ =	sfence  }
0xb7: {  	s30 =	sld [smem:$0x0];
	_ =	sdelay $0x2  }
0xb8: {  	s31 =	sshll.u32 s1, $0xD;
	s1 =	sshrl.u32 s1, $0x2  }
0xb9: {  	s3 =	sand.u32 $0x4000, s31;
	s1 =	sadd.s32 s1, s30  }
0xba: {  	s0 =	sor.u32 s3, s0;
	s1 =	sshll.u32 s1, $0x11  }
0xbb: {  	s0 =	sor.u32 s1, s0  }
0xbc: {  	s0 =	sadd.s32 $0x8F2B, s0  }
0xbd: {  	[sflag:s0] =	ssyncadd.remote.s32 $0x1  }
0xbe: {  	_ =	sfence.sel $0xFFFF  }
0xbf: {  	[dreg:$0x0] =	wrdreg $0xFFFFFFFF;
	(pc) =	sbr.abs _section_cstart, $3  }
0xc0: {  	[dreg:$0x1] =	wrdreg $0xFFFFFFFF  }
0xc1: {  	_ =	task.clear_ibuf [dreg:s7], $0x2FFFF;
	_ =	strace $0x9FFFFFFF  }
0xc2: {  	(tm) =	ssettm $0x7FFFFFFF  }
0xc3: {  	_ =	shalt  }
tec
execute0_lowered:
.L_overlay_start_1:
0x0: {  	(tag) =	ssettag $0x1  }
0x1: {  	s0 =	srdreg.scid;
	s3 =	rddreg [dreg:$0x0]  }
0x2: {  	s12 =	stileid.u32;
	s4 =	rddreg [dreg:$0x1];
	s2 =	simm.s32 $0x0  }
0x3: {  	s29 =	simm.s32 $0xFE00;
	s0 =	sand.u32 $0x1, s0;
	s5 =	smul.u32 $0x320000, s12  }
0x4: {  	s1 =	sshll.u32 s12, $0x1;
	[smem:$0x7FF] =	sst s2;
	s24 =	smul.u32 $0x64000, s12  }
0x5: {  	s1 =	sor.u32 s0, s1;
	s6 =	ssub.s32 $0x2, s0;
	s7 =	smul.u32 $0x190000, s0  }
0x6: {  	_ =	strace $0x8000004A;
	s1 =	smul.u32 $0xD00, s1;
	s8 =	sshrl.u32 s6, $0x1  }
0x7: {  	s0 =	smul.u32 $0x32000, s0;
	s6 =	ssub.s32 s6, s8;
	s5 =	sadd.s32 s7, s5  }
0x8: {  	s1 =	sadd.s32 s1, s3;
	s3 =	sadd.s32 $0xF5D200, s3;
	s18 =	smax.u32 s6, $0x1  }
0x9: {  	s19 =	sor.u32 $0xBB80, s5;
	s7 =	sor.u32 $0xAF00, s5;
	s20 =	sor.u32 $0xA280, s5  }
0xa: {  	s22 =	sor.u32 $0x9600, s5;
	s10 =	sor.u32 $0x8980, s5;
	s11 =	sor.u32 $0x7D00, s5  }
0xb: {  	s25 =	sor.u32 $0x7080, s5;
	s13 =	sor.u32 $0x5780, s5;
	s26 =	sor.u32 $0x4B00, s5  }
0xc: {  	s28 =	sor.u32 $0x3E80, s5;
	s15 =	sor.u32 $0x3200, s5;
	s30 =	sor.u32 $0x2580, s5  }
0xd: {  	s31 =	sor.u32 $0x1900, s5;
	s5 =	sor.u32 $0xC80, s5;
	s1 =	sadd.s32 $0xF43200, s1  }
0xe: {  	[dreg:$0x4] =	wrdreg s18;
	s21 =	sshrl.u32 s7, $0x3;
	s8 =	sshrl.u32 s20, $0x3  }
0xf: {  	s23 =	sshrl.u32 s10, $0x3;
	s11 =	sshrl.u32 s11, $0x3;
	s12 =	sshrl.u32 s25, $0x3  }
0x10: {  	s14 =	sshrl.u32 s13, $0x3;
	s17 =	sshrl.u32 s15, $0x3;
	s5 =	sshrl.u32 s5, $0x3  }
0x11: {  	s25 =	simm.s32 $0x0;
	[dreg:$0x3] =	wrdreg s1;
	s1 =	sshrl.u32 s19, $0x3  }
0x12: {  	s7 =	sadd.s32 s21, s4;
	s8 =	sadd.s32 s8, s4;
	s10 =	sadd.s32 s23, s4  }
0x13: {  	s11 =	sadd.s32 s11, s4;
	s12 =	sadd.s32 s12, s4;
	s14 =	sadd.s32 s14, s4  }
0x14: {  	s17 =	sadd.s32 s17, s4;
	s20 =	sadd.s32 s5, s4;
	s23 =	simm.s32 $0x2  }
0x15: {  	s5 =	simm.s32 $0x4;
	s6 =	sadd.s32 s1, s4;
	s1 =	sshrl.u32 s22, $0x3  }
0x16: {  	s22 =	simm.s32 $0x64;
	s9 =	sadd.s32 s1, s4;
	s1 =	sadd.s32 s24, s4  }
.Ltmp0:
0x17: {  	s13 =	sadd.s32 s0, s1;
	s0 =	sshrl.u32 s26, $0x3;
	(pc) =	sbr.rel .LBB2_1-.Ltmp0, $4  }
0x18: {  	s24 =	simm.s32 $0xE500;
	s1 =	sshrl.u32 s28, $0x3;
	s15 =	sadd.s32 s0, s4  }
0x19: {  	s16 =	sadd.s32 s1, s4;
	s0 =	sshrl.u32 s30, $0x3;
	s1 =	sshrl.u32 s31, $0x3  }
0x1a: {  	s26 =	simm.s32 $0x1;
	s18 =	sadd.s32 s0, s4;
	s19 =	sadd.s32 s1, s4  }
0x1b: {  	s1 =	simm.s32 $0xCC00;
	s0 =	simm.s32 $0x11700;
	s4 =	simm.s32 $0x3  }
.LBB2_4:
0x1c: {  	s25 =	rddreg [dreg:$0x5]  }
0x1d: {  	s21 =	rddreg [dreg:$0x4];
	s25 =	sadd.s32 $0x1, s25  }
0x1e: {  	p0 =	sne.s32 s25, s21  }
.Ltmp1:
0x1f: {  	_ = 	snop;
	(pc) =	sbr.rel @!p0 .LBB2_5-.Ltmp1, $1  }
0x20: {  	_ =	sdelay $0x3  }
.LBB2_1:
0x21: {  	[dreg:$0x5] =	wrdreg s25  }
0x22: {  	s21 =	rddreg [dreg:$0x3];
	s25 =	simm.s32 $0x5  }
0x23: {  	[tilespmem:s2], [sflag:$0x5] =	stream.linear.gather [hbm4b:s21+s2], $0x6800, $0x38;
	[tilespmem:$0x13000] =	vst v63  }
0x24: {  	_ =	swait.ge [sflag:s25], $0x6800  }
0x25: {  	[sflag:s25] =	ssyncset.done $0x0  }
0x26: {  	s28 =	simm.s32 $0x6800;
	[sflag:s25] =	ssyncadd.s32 $0xFFFF9800  }
0x27: {  	[tilespmem:s28], [sflag:$0x1] =	stream.indirect.gather [hbm4b:s3+s22], $0x40, s2, s22, $0xb8;
	[tilespmem:$0x13000] =	vst v63  }
0x28: {  	s30 =	simm.s32 $0x68;
	s31 =	simm.s32 $0x8100  }
0x29: {  	[tilespmem:s31], [sflag:$0x1] =	stream.indirect.gather [hbm4b:s3+s22], $0x40, s30, s22, $0xb8;
	[tilespmem:$0x13000] =	vst v63  }
0x2a: {  	s25 =	simm.s32 $0xD0;
	s28 =	simm.s32 $0x9A00  }
0x2b: {  	[tilespmem:s28], [sflag:$0x1] =	stream.indirect.gather [hbm4b:s3+s22], $0x40, s25, s22, $0xb8;
	[tilespmem:$0x13000] =	vst v63  }
0x2c: {  	s30 =	simm.s32 $0x138;
	s31 =	simm.s32 $0xB300  }
0x2d: {  	[tilespmem:s31], [sflag:$0x1] =	stream.indirect.gather [hbm4b:s3+s22], $0x40, s30, s22, $0xb8;
	[tilespmem:$0x13000] =	vst v63  }
0x2e: {  	s25 =	simm.s32 $0x1A0  }
0x2f: {  	[tilespmem:s1], [sflag:$0x2] =	stream.indirect.gather [hbm4b:s3+s22], $0x40, s25, s22, $0xb8;
	[tilespmem:$0x13000] =	vst v63  }
0x30: {  	s28 =	simm.s32 $0x208  }
0x31: {  	[tilespmem:s24], [sflag:$0x2] =	stream.indirect.gather [hbm4b:s3+s22], $0x40, s28, s22, $0xb8;
	[tilespmem:$0x13000] =	vst v63  }
0x32: {  	s30 =	simm.s32 $0x270  }
0x33: {  	[tilespmem:s29], [sflag:$0x2] =	stream.indirect.gather [hbm4b:s3+s22], $0x40, s30, s22, $0xb8;
	[tilespmem:$0x13000] =	vst v63  }
0x34: {  	s21 =	simm.s32 $0x618;
	s31 =	simm.s32 $0x2D8;
	s25 =	simm.s32 $0x0  }
0x35: {  	[tilespmem:s0], [sflag:$0x2] =	stream.indirect.gather [hbm4b:s3+s22], $0x40, s31, s22, $0xb8;
	[tilespmem:$0x13000] =	vst v63  }
.LBB2_2:
0x36: {  	_ =	swait.ge [sflag:s26], $0x1900  }
0x37: {  	[sflag:s26] =	ssyncset.done $0x0  }
0x38: {  	[sflag:s26] =	ssyncadd.s32 $0xFFFFE700  }
0x39: {  	_ =	swait.ge [sflag:s26], $0x1900  }
0x3a: {  	[sflag:s26] =	ssyncset.done $0x0  }
0x3b: {  	[sflag:s26] =	ssyncadd.s32 $0xFFFFE700  }
0x3c: {  	_ =	swait.ge [sflag:s26], $0x1900  }
0x3d: {  	[sflag:s26] =	ssyncset.done $0x0  }
0x3e: {  	[sflag:s26] =	ssyncadd.s32 $0xFFFFE700  }
0x3f: {  	_ =	swait.ge [sflag:s26], $0x1900  }
0x40: {  	[sflag:s26] =	ssyncset.done $0x0  }
0x41: {  	s28 =	sadd.s32 s25, s13;
	s30 =	simm.s32 $0x6800;
	[sflag:s26] =	ssyncadd.s32 $0xFFFFE700  }
0x42: {  	[hbm4b:s28+s2] =	stream.linear.scatter [tilespmem:s30], [sflag:$0x3], $0xC80, $0x38;
	[tilespmem:$0x13000] =	vst v63  }
0x43: {  	s31 =	simm.s32 $0x7480;
	s30 =	sadd.s32 s25, s20  }
0x44: {  	[hbm4b:s30+s2] =	stream.linear.scatter [tilespmem:s31], [sflag:$0x3], $0xC80, $0x38;
	[tilespmem:$0x13000] =	vst v63  }
0x45: {  	s30 =	sadd.s32 s25, s19;
	s31 =	simm.s32 $0x8100  }
0x46: {  	[hbm4b:s30+s2] =	stream.linear.scatter [tilespmem:s31], [sflag:$0x3], $0xC80, $0x38;
	[tilespmem:$0x13000] =	vst v63  }
0x47: {  	s30 =	sadd.s32 s25, s18;
	s31 =	simm.s32 $0x8D80  }
0x48: {  	[hbm4b:s30+s2] =	stream.linear.scatter [tilespmem:s31], [sflag:$0x3], $0xC80, $0x38;
	[tilespmem:$0x13000] =	vst v63  }
0x49: {  	s30 =	sadd.s32 s25, s17;
	s31 =	simm.s32 $0x9A00  }
0x4a: {  	[hbm4b:s30+s2] =	stream.linear.scatter [tilespmem:s31], [sflag:$0x3], $0xC80, $0x38;
	[tilespmem:$0x13000] =	vst v63  }
0x4b: {  	s30 =	sadd.s32 s25, s16;
	s31 =	simm.s32 $0xA680  }
0x4c: {  	[hbm4b:s30+s2] =	stream.linear.scatter [tilespmem:s31], [sflag:$0x3], $0xC80, $0x38;
	[tilespmem:$0x13000] =	vst v63  }
0x4d: {  	s30 =	sadd.s32 s25, s15;
	s31 =	simm.s32 $0xB300  }
0x4e: {  	[hbm4b:s30+s2] =	stream.linear.scatter [tilespmem:s31], [sflag:$0x3], $0xC80, $0x38;
	[tilespmem:$0x13000] =	vst v63  }
0x4f: {  	s30 =	sadd.s32 s25, s14;
	s31 =	simm.s32 $0xBF80  }
0x50: {  	[hbm4b:s30+s2] =	stream.linear.scatter [tilespmem:s31], [sflag:$0x3], $0xC80, $0x38;
	[tilespmem:$0x13000] =	vst v63  }
0x51: {  	_ =	swait.ge [sflag:s23], $0x1900  }
0x52: {  	[sflag:s23] =	ssyncset.done $0x0  }
0x53: {  	[sflag:s23] =	ssyncadd.s32 $0xFFFFE700  }
0x54: {  	_ =	swait.ge [sflag:s23], $0x1900  }
0x55: {  	[sflag:s23] =	ssyncset.done $0x0  }
0x56: {  	[sflag:s23] =	ssyncadd.s32 $0xFFFFE700  }
0x57: {  	_ =	swait.ge [sflag:s23], $0x1900  }
0x58: {  	[sflag:s23] =	ssyncset.done $0x0  }
0x59: {  	[sflag:s23] =	ssyncadd.s32 $0xFFFFE700  }
0x5a: {  	_ =	swait.ge [sflag:s23], $0x1900  }
0x5b: {  	[sflag:s23] =	ssyncset.done $0x0  }
0x5c: {  	s28 =	sadd.s32 $0xC80, s28;
	[sflag:s23] =	ssyncadd.s32 $0xFFFFE700  }
0x5d: {  	[hbm4b:s28+s2] =	stream.linear.scatter [tilespmem:s1], [sflag:$0x4], $0xC80, $0x38;
	[tilespmem:$0x13000] =	vst v63  }
0x5e: {  	s31 =	simm.s32 $0xD880;
	s28 =	sadd.s32 s25, s12  }
0x5f: {  	[hbm4b:s28+s2] =	stream.linear.scatter [tilespmem:s31], [sflag:$0x4], $0xC80, $0x38;
	[tilespmem:$0x13000] =	vst v63  }
0x60: {  	s30 =	sadd.s32 s25, s11  }
0x61: {  	[hbm4b:s30+s2] =	stream.linear.scatter [tilespmem:s24], [sflag:$0x4], $0xC80, $0x38;
	[tilespmem:$0x13000] =	vst v63  }
0x62: {  	s28 =	sadd.s32 s25, s10;
	s31 =	simm.s32 $0xF180  }
0x63: {  	[hbm4b:s28+s2] =	stream.linear.scatter [tilespmem:s31], [sflag:$0x4], $0xC80, $0x38;
	[tilespmem:$0x13000] =	vst v63  }
0x64: {  	s30 =	sadd.s32 s25, s9  }
0x65: {  	[hbm4b:s30+s2] =	stream.linear.scatter [tilespmem:s29], [sflag:$0x4], $0xC80, $0x38;
	[tilespmem:$0x13000] =	vst v63  }
0x66: {  	s28 =	sadd.s32 s25, s8;
	s31 =	simm.s32 $0x10A80  }
0x67: {  	[hbm4b:s28+s2] =	stream.linear.scatter [tilespmem:s31], [sflag:$0x4], $0xC80, $0x38;
	[tilespmem:$0x13000] =	vst v63  }
0x68: {  	s30 =	sadd.s32 s25, s7  }
0x69: {  	[hbm4b:s30+s2] =	stream.linear.scatter [tilespmem:s0], [sflag:$0x4], $0xC80, $0x38;
	[tilespmem:$0x13000] =	vst v63  }
0x6a: {  	s28 =	sadd.s32 s25, s6;
	s31 =	simm.s32 $0x12380  }
0x6b: {  	[hbm4b:s28+s2] =	stream.linear.scatter [tilespmem:s31], [sflag:$0x4], $0xC80, $0x38;
	[tilespmem:$0x13000] =	vst v63  }
0x6c: {  	_ =	swait.ge [sflag:s4], $0xC80  }
0x6d: {  	[sflag:s4] =	ssyncset.done $0x0  }
0x6e: {  	[sflag:s4] =	ssyncadd.s32 $0xFFFFF380  }
0x6f: {  	_ =	swait.ge [sflag:s4], $0xC80  }
0x70: {  	[sflag:s4] =	ssyncset.done $0x0  }
0x71: {  	[sflag:s4] =	ssyncadd.s32 $0xFFFFF380  }
0x72: {  	_ =	swait.ge [sflag:s4], $0xC80  }
0x73: {  	[sflag:s4] =	ssyncset.done $0x0  }
0x74: {  	[sflag:s4] =	ssyncadd.s32 $0xFFFFF380  }
0x75: {  	_ =	swait.ge [sflag:s4], $0xC80  }
0x76: {  	[sflag:s4] =	ssyncset.done $0x0  }
0x77: {  	[sflag:s4] =	ssyncadd.s32 $0xFFFFF380  }
0x78: {  	_ =	swait.ge [sflag:s4], $0xC80  }
0x79: {  	[sflag:s4] =	ssyncset.done $0x0  }
0x7a: {  	[sflag:s4] =	ssyncadd.s32 $0xFFFFF380  }
0x7b: {  	_ =	swait.ge [sflag:s4], $0xC80  }
0x7c: {  	[sflag:s4] =	ssyncset.done $0x0  }
0x7d: {  	[sflag:s4] =	ssyncadd.s32 $0xFFFFF380  }
0x7e: {  	_ =	swait.ge [sflag:s4], $0xC80  }
0x7f: {  	[sflag:s4] =	ssyncset.done $0x0  }
0x80: {  	[sflag:s4] =	ssyncadd.s32 $0xFFFFF380  }
0x81: {  	p0 =	seq.s32 s25, $0x30700;
	_ =	swait.ge [sflag:s4], $0xC80  }
0x82: {  	s30 =	simm.s32 @!p0 $0x64;
	[sflag:s4] =	ssyncset.done $0x0  }
0x83: {  	s28 =	sadd.s32 @!p0 $0xFFFFFD28, s21;
	s31 =	simm.s32 @!p0 $0x6800;
	[sflag:s4] =	ssyncadd.s32 $0xFFFFF380  }
0x84: {  	[tilespmem:s31], [sflag:$0x1] =	stream.indirect.gather @!p0 [hbm4b:s3+s30], $0x40, s28, s30, $0xb8;
	[tilespmem:$0x13000] =	vst v63  }
0x85: {  	s28 =	sadd.s32 @!p0 $0xFFFFFD90, s21;
	s31 =	simm.s32 @!p0 $0x8100  }
0x86: {  	[tilespmem:s31], [sflag:$0x1] =	stream.indirect.gather @!p0 [hbm4b:s3+s30], $0x40, s28, s30, $0xb8;
	[tilespmem:$0x13000] =	vst v63  }
0x87: {  	s28 =	sadd.s32 @!p0 $0xFFFFFDF8, s21;
	s31 =	simm.s32 @!p0 $0x9A00  }
0x88: {  	[tilespmem:s31], [sflag:$0x1] =	stream.indirect.gather @!p0 [hbm4b:s3+s30], $0x40, s28, s30, $0xb8;
	[tilespmem:$0x13000] =	vst v63  }
0x89: {  	s28 =	sadd.s32 @!p0 $0xFFFFFE60, s21;
	s31 =	simm.s32 @!p0 $0xB300  }
0x8a: {  	[tilespmem:s31], [sflag:$0x1] =	stream.indirect.gather @!p0 [hbm4b:s3+s30], $0x40, s28, s30, $0xb8;
	[tilespmem:$0x13000] =	vst v63  }
0x8b: {  	_ =	swait.ge [sflag:s5], $0xC80  }
0x8c: {  	[sflag:s5] =	ssyncset.done $0x0  }
0x8d: {  	[sflag:s5] =	ssyncadd.s32 $0xFFFFF380  }
0x8e: {  	_ =	swait.ge [sflag:s5], $0xC80  }
0x8f: {  	[sflag:s5] =	ssyncset.done $0x0  }
0x90: {  	[sflag:s5] =	ssyncadd.s32 $0xFFFFF380  }
0x91: {  	_ =	swait.ge [sflag:s5], $0xC80  }
0x92: {  	[sflag:s5] =	ssyncset.done $0x0  }
0x93: {  	[sflag:s5] =	ssyncadd.s32 $0xFFFFF380  }
0x94: {  	_ =	swait.ge [sflag:s5], $0xC80  }
0x95: {  	[sflag:s5] =	ssyncset.done $0x0  }
0x96: {  	[sflag:s5] =	ssyncadd.s32 $0xFFFFF380  }
0x97: {  	_ =	swait.ge [sflag:s5], $0xC80  }
0x98: {  	[sflag:s5] =	ssyncset.done $0x0  }
0x99: {  	[sflag:s5] =	ssyncadd.s32 $0xFFFFF380  }
0x9a: {  	_ =	swait.ge [sflag:s5], $0xC80  }
0x9b: {  	[sflag:s5] =	ssyncset.done $0x0  }
0x9c: {  	[sflag:s5] =	ssyncadd.s32 $0xFFFFF380  }
0x9d: {  	_ =	swait.ge [sflag:s5], $0xC80  }
.Ltmp2:
0x9e: {  	[sflag:s5] =	ssyncset.done $0x0;
	(pc) =	sbr.rel @p0 .LBB2_4-.Ltmp2, $4  }
0x9f: {  	[sflag:s5] =	ssyncadd.s32 $0xFFFFF380  }
0xa0: {  	_ =	swait.ge [sflag:s5], $0xC80  }
0xa1: {  	[sflag:s5] =	ssyncset.done $0x0  }
0xa2: {  	[sflag:s5] =	ssyncadd.s32 $0xFFFFF380  }
0xa3: {  	s28 =	sadd.s32 $0xFFFFFEC8, s21  }
0xa4: {  	[tilespmem:s1], [sflag:$0x2] =	stream.indirect.gather [hbm4b:s3+s22], $0x40, s28, s22, $0xb8;
	[tilespmem:$0x13000] =	vst v63  }
0xa5: {  	s30 =	sadd.s32 $0xFFFFFF30, s21  }
0xa6: {  	[tilespmem:s24], [sflag:$0x2] =	stream.indirect.gather [hbm4b:s3+s22], $0x40, s30, s22, $0xb8;
	[tilespmem:$0x13000] =	vst v63  }
.Ltmp3:
0xa7: {  	s31 =	sadd.s32 $0xFFFFFF98, s21;
	(pc) =	sbr.rel .LBB2_2-.Ltmp3, $4  }
0xa8: {  	[tilespmem:s29], [sflag:$0x2] =	stream.indirect.gather [hbm4b:s3+s22], $0x40, s31, s22, $0xb8;
	[tilespmem:$0x13000] =	vst v63  }
0xa9: {  	_ = 	snop  }
0xaa: {  	[tilespmem:s0], [sflag:$0x2] =	stream.indirect.gather [hbm4b:s3+s22], $0x40, s21, s22, $0xb8;
	[tilespmem:$0x13000] =	vst v63  }
0xab: {  	s25 =	sadd.s32 $0x1900, s25;
	s21 =	sadd.s32 $0x340, s21  }
.LBB2_5:
0xac: {  	_ =	sfence.sel $0x180000  }
0xad: {  	[bflag:$0x0] =	sbarrier.arrive $0xFFFF  }
0xae: {  	_ =	strace $0x9000004A  }
0xaf: {  	s0 =	stileid.u32;
	[bflag:$0x2] =	sbarrier.arrive $0xFFFF  }
0xb0: {  	p0 =	sne.s32 s0, $0x0;
	s0 =	rddreg [dreg:$0x2]  }
0xb1: {  	s0 =	sadd.s32 @!p0 $0x100000, s0  }
0xb2: {  	[sflag:s0] =	ssyncadd.tile.s32 @!p0 $0x1;
	_ =	shalt  }
.Lfunc_end2:
_tile_overlayer_lowered:
.L_overlay_start_2:
0xb3: {  	(tag) =	ssettag $0x2  }
0xb4: {  	s0 =	rddreg [dreg:$0x0];
	s2 =	stileid.u32  }
0xb5: {  	s1 =	rddreg [dreg:$0x1];
	p0 =	sne.s32 s2, $0x0  }
0xb6: {  	s3 =	rddreg [dreg:$0x2];
	[bflag:$0x3] =	sbarrier.arrive $0xFFFF;
	s2 =	simm.s32 @!p0 $0x1C05  }
0xb7: {  	[timem:s3], [sflag:s2] =	dma.local @!p0 [hbm:s0], s1  }
0xb8: {  	s0 =	simm.s32 @!p0 $0x5  }
0xb9: {  	_ =	swait.ge @!p0 [sflag:s0], s1  }
0xba: {  	s1 =	ssub.s32 @!p0 $0x0, s1;
	[sflag:s0] =	ssyncset.done @!p0 $0x0  }
0xbb: {  	[sflag:s0] =	ssyncadd.s32 @!p0 s1  }
0xbc: {  	[bflag:$0x3] =	sbarrier.arrive $0xFFFF  }
0xbd: {  	_ =	shalt  }

// kernel: sparse-core-data-format-call.1.cloned.1.call-start
scs
called_computation.1_lowered:
.L_overlay_start_0:
0x0: {  	s2 =	sld [smem:$0x3FD9]  }
0x1: {  	s3 =	sld [smem:$0x3FFE];
	_ =	sdelay $0x1  }
0x2: {  	s1 =	srdreg.scid  }
0x3: {  	s0 =	sand.u32 $0x1, s1  }
0x4: {  	s18 =	sshll.u32 s0, $0xA;
	s2 =	sadd.s32 s3, s2  }
0x5: {  	s2 =	sadd.s32 s2, s18  }
0x6: {  	[smem:$0x3FC6] =	sst s2  }
0x7: {  	_ = 	snop  }
0x8: {  	s2 =	sld [smem:$0x3FC8];
	(tm) =	ssettm $0x1  }
0x9: {  	s19 =	sld [smem:$0x3FFB];
	_ =	sdelay $0x3  }
0xa: {  	_ =	strace s19  }
0xb: {  	s3 =	sld [smem:$0x3FFC];
	_ =	sdelay $0x3  }
0xc: {  	_ =	strace s3  }
0xd: {  	s3 =	sld [smem:$0x3FFD];
	_ =	sdelay $0x3  }
0xe: {  	_ =	strace s3  }
0xf: {  	_ =	strace $0x8FFFFFFF  }
0x10: {  	s20 =	sld [smem:$0x3FDB];
	_ =	sdelay $0x1  }
0x11: {  	s4 =	simm.s32 $_scs_section_size  }
0x12: {  	s5 =	simm.s32 $_size__tile_overlayer_lowered;
	s6 =	simm.s32 $_tile_overlayer_lowered  }
0x13: {  	s23 =	simm.s32 $0x1BFF;
	s22 =	sshll.u32 s6, $0x1;
	s3 =	sadd.s32 s4, s20  }
0x14: {  	s7 =	simm.s32 $0x0;
	s21 =	sshll.u32 s5, $0x1;
	s5 =	sadd.s32 s22, s3  }
0x15: {  	[timem:s7], [sflag:s23] =	dma.local [hbm:s5], s21  }
0x16: {  	_ =	swait.ge [sflag:s23], s21  }
0x17: {  	s4 =	ssub.s32 $0x0, s21;
	[sflag:s23] =	ssyncset.done $0x0  }
0x18: {  	[sflag:s23] =	ssyncadd.s32 s4;
	_ =	sdelay $0x1  }
0x19: {  	s24 =	simm.s32 $0x1B8B  }
0x1a: {  	_ =	swait.ge [sflag:s24], $0x1  }
0x1b: {  	[sflag:s24] =	ssyncset.done $0x0  }
0x1c: {  	s26 =	simm.s32 $0x1B8E;
	s25 =	sld [smem:$0x3FFE];
	[sflag:s24] =	ssyncadd.s32 $0xFFFFFFFF  }
0x1d: {  	s27 =	simm.s32 $execute0_lowered;
	[smem:$0x3FD2] =	sst s26  }
0x1e: {  	s5 =	sshll.u32 s27, $0x1;
	_ =	strace $0x80000046;
	[dreg:$0x1] =	wrdreg $0xFFFFFFFF  }
0x1f: {  	s28 =	simm.s32 $_size_execute0_lowered;
	s3 =	sadd.s32 s3, s5;
	[dreg:$0x0] =	wrdreg $0x0  }
0x20: {  	s5 =	sshll.u32 s28, $0x1;
	[dreg:$0x2] =	wrdreg s3  }
0x21: {  	[dreg:$0x3] =	wrdreg s5  }
0x22: {  	[dreg:$0x4] =	wrdreg $0xC0  }
0x23: {  	_ =	task [dreg:s7], $0x5FFFF  }
0x24: {  	[dreg:$0x1] =	wrdreg $0xFFFFFFFF  }
0x25: {  	[dreg:$0x0] =	wrdreg $0x60  }
0x26: {  	[dreg:$0x2] =	wrdreg s2  }
0x27: {  	[dreg:$0x3] =	wrdreg s25  }
0x28: {  	[dreg:$0x4] =	wrdreg $0x9  }
0x29: {  	_ =	task.clear_ibuf [dreg:s7], $0x5FFFF;
	_ =	strace $0x90000046  }
0x2a: {  	s29 =	simm.s32 $0x9;
	_ =	strace $0x80000048  }
0x2b: {  	_ =	swait.ge [sflag:s29], $0x1  }
0x2c: {  	[sflag:s29] =	ssyncadd.s32 $0xFFFFFFFF  }
0x2d: {  	_ =	strace $0x90000048  }
0x2e: {  	_ =	sfence  }
0x2f: {  	s30 =	sld [smem:$0x0];
	_ =	sdelay $0x2  }
0x30: {  	s31 =	sshll.u32 s1, $0xD;
	s1 =	sshrl.u32 s1, $0x2  }
0x31: {  	s3 =	sand.u32 $0x4000, s31;
	s1 =	sadd.s32 s1, s30  }
0x32: {  	s0 =	sor.u32 s3, s0;
	s1 =	sshll.u32 s1, $0x11  }
0x33: {  	s0 =	sor.u32 s1, s0  }
0x34: {  	s0 =	sadd.s32 $0x8F2B, s0  }
0x35: {  	[sflag:s0] =	ssyncadd.remote.s32 $0x1  }
0x36: {  	_ =	sfence.sel $0xFFFF  }
0x37: {  	[dreg:$0x0] =	wrdreg $0xFFFFFFFF;
	(pc) =	sbr.abs _section_cstart, $3  }
0x38: {  	[dreg:$0x1] =	wrdreg $0xFFFFFFFF  }
0x39: {  	_ =	task.clear_ibuf [dreg:s7], $0x2FFFF;
	_ =	strace $0x9FFFFFFF  }
0x3a: {  	(tm) =	ssettm $0x7FFFFFFF  }
0x3b: {  	_ =	shalt  }
tec
execute0_lowered:
.L_overlay_start_1:
0x0: {  	(tag) =	ssettag $0x1  }
0x1: {  	s0 =	srdreg.scid;
	s2 =	rddreg [dreg:$0x0]  }
0x2: {  	s5 =	rddreg [dreg:$0x1];
	s1 =	stileid.u32  }
0x3: {  	s4 =	simm.s32 $0x1;
	s6 =	simm.s32 $0x2;
	s15 =	simm.s32 $0x0  }
0x4: {  	p0 =	por $0x0, $0x0;
	s8 =	simm.s32 $0x80;
	s0 =	sshll.u32 s0, $0x4  }
0x5: {  	s14 =	simm.s32 $0x0;
	s9 =	simm.s32 $0x0;
	s3 =	sand.u32 $0x10, s0  }
.Ltmp0:
0x6: {  	s10 =	simm.s32 $0x0;
	s3 =	sor.u32 s1, s3;
	(pc) =	sbr.rel .LBB1_1-.Ltmp0, $4  }
0x7: {  	s0 =	rddreg [dreg:$0x2];
	_ =	strace $0x80000047;
	s3 =	sshll.u32 s3, $0x7  }
0x8: {  	s12 =	simm.s32 $0x0;
	[sflag:s4] =	ssyncpa.u1 $0x0;
	s7 =	ssub.s32 $0xF4200, s3  }
0x9: {  	s13 =	simm.s32 $0x0;
	[sflag:s6] =	ssyncpa.u1 $0x0;
	s6 =	sshrl.u32 s7, $0xC  }
0xa: {  	s5 =	sadd.s32 $0xE00, s5;
	s11 =	smov.u32 s3;
	s7 =	sadd.s32 $0x2, s6  }
.LBB1_5:
0xb: {  	p1 =	slt.u32 s13, $0x2  }
0xc: {  	s17 =	smov.u32 s15;
	p2 =	sgt.s32 @!p1 s15, $0xF41C0;
	s16 =	sshra.s32 @!p1 s15, $0x1F  }
0xd: {  	p3 =	sgt.s32 @!p1 s14, $0x40;
	s18 =	sshra.s32 @!p1 s14, $0x1F;
	p2 =	por !p2, p1  }
0xe: {  	s15 =	sand.u32 @!p1 s16, s15;
	p3 =	por !p3, p1;
	s16 =	smov.u32 s14  }
0xf: {  	s14 =	sand.u32 @!p1 s18, s14;
	s17 =	simm.s32 @p2 $0xF41C0;
	s16 =	simm.s32 @p3 $0x40  }
0x10: {  	s15 =	ssub.s32 @!p1 s17, s15;
	s14 =	ssub.s32 @!p1 s16, s14  }
0x11: {  	s18 =	smov.u32 s12;
	s16 =	sadd.s32 @!p1 $0xFFF0BE40, s15;
	s17 =	sadd.s32 @!p1 $0xFFFFFFC0, s14  }
0x12: {  	s15 =	ssub.s32 @!p1 $0xF4240, s15;
	p2 =	sgt.s32 @!p1 s16, $0x7F;
	p3 =	sgt.s32 @!p1 s17, $0x3F  }
0x13: {  	s14 =	ssub.s32 @!p1 $0x80, s14;
	p2 =	por !p2, p1;
	p3 =	por !p3, p1  }
0x14: {  	s16 =	sadd.s32 $0x1000, s11;
	s15 =	simm.s32 @!p2 $0x0;
	s14 =	simm.s32 @!p3 $0x0  }
0x15: {  	p2 =	sgt.s32 s16, $0xF423F;
	s14 =	smul.u32 @!p1 s14, s15;
	s15 =	sadd.s32 $0x40, s12  }
0x16: {  	s18 =	smov.u32 @p2 s15  }
0x17: {  	s16 =	smov.u32 @p2 s3;
	p2 =	sgt.s32 s18, $0x3F  }
0x18: {  	s18 =	simm.s32 @p2 $0x0;
	p2 =	sne.s32 s13, s7  }
.Ltmp1:
0x19: {  	p0 =	por !p0, !p0;
	s17 =	simm.s32 @!p1 $0x2;
	(pc) =	sbr.rel @!p2 .LBB1_6-.Ltmp1, $4  }
0x1a: {  	s15 =	smov.u32 s9;
	s9 =	smov.u32 s11;
	s14 =	sand.u32 @!p1 $0x3FFFFFFF, s14  }
0x1b: {  	s11 =	smov.u32 s16;
	_ =	swait.ge @!p1 [sflag:s17], s14;
	s19 =	ssub.s32 @!p1 $0x0, s14  }
0x1c: {  	s14 =	smov.u32 s10;
	s13 =	sadd.s32 $0x1, s13;
	[sflag:s17] =	ssyncset.done @!p1 $0x0  }
0x1d: {  	s10 =	smov.u32 s12;
	s12 =	smov.u32 s18;
	[sflag:s17] =	ssyncadd.s32 @!p1 s19  }
.LBB1_1:
0x1e: {  	p1 =	sgt.u32 s13, s6  }
0x1f: {  	s16 =	sshrl.u32 @!p1 s12, $0x3  }
0x20: {  	s17 =	sshll.u32 @!p1 s11, $0x3;
	s16 =	smul.u32 @!p1 $0x7A1400, s16  }
0x21: {  	s18 =	sshll.u32 @!p1 s12, $0x7;
	s17 =	sand.u32 @!p1 $0xFFFFFC00, s17  }
0x22: {  	s16 =	sadd.s32 @!p1 s16, s17;
	s17 =	sand.u32 @!p1 $0x380, s18  }
0x23: {  	s18 =	sand.u32 @!p1 $0x7F, s11;
	s16 =	sor.u32 @!p1 s17, s16  }
0x24: {  	s17 =	sor.u32 @!p1 s18, s16  }
0x25: {  	s18 =	smulhi.u32 @!p1 $0x218D6287, s17;
	_ =	sdelay $0x1  }
0x26: {  	s16 =	smulhi.u32 @!p1 $0x218D6287, s16;
	s18 =	sshrl.u32 @!p1 s18, $0x11  }
0x27: {  	s18 =	smul.u32 @!p1 $0xF4280, s18  }
0x28: {  	s19 =	sxor.u32 @!p1 $0xFFFFFFFF, s13;
	s16 =	sshrl.u32 @!p1 s16, $0x11  }
0x29: {  	s19 =	sshll.u32 @!p1 s19, $0xD;
	s16 =	sand.u32 @!p1 $0x3F, s16;
	s17 =	ssub.s32 @!p1 s17, s18  }
0x2a: {  	s16 =	smul.u32 @!p1 $0x1E850, s16;
	s18 =	sshrl.u32 @!p1 s17, $0x3;
	s17 =	sand.u32 @!p1 $0x7, s17  }
0x2b: {  	s19 =	sand.u32 @!p1 $0x2000, s19;
	s18 =	sadd.s32 @!p1 s2, s18;
	s17 =	sshll.u32 @!p1 s17, $0x12  }
0x2c: {  	s16 =	sadd.s32 @!p1 s16, s18;
	s17 =	sor.u32 @!p1 $0x400, s17;
	s18 =	simm.s32 @!p1 $0x7A1400  }
0x2d: {  	[tilespmem:s19], [sflag:$0x1] =	stream.strided.gather @!p1 [hbm4b:s16+s17], $0x2000, s18, s17, $0x38;
	[tilespmem:$0x8100] =	vst v63  }
0x2e: {  	p1 =	seq.s32 s13, $0x0  }
0x2f: {  	p2 =	sge.u32 @!p1 s13, s7  }
0x30: {  	p1 =	por p1, p2  }
.Ltmp2:
0x31: {  	_ = 	snop;
	(pc) =	sbr.rel @p1 .LBB1_5-.Ltmp2, $1  }
0x32: {  	_ =	sdelay $0x3  }
0x33: {  	s16 =	simm.s32 $0x1  }
0x34: {  	_ =	swait.ge [sflag:s4], $0x2000;
	s16 =	simm.s32 @!p0 $0x0  }
0x35: {  	[sflag:s4] =	ssyncset.done $0x0;
	s17 =	sshll.u32 s16, $0xD  }
0x36: {  	[sflag:s4] =	ssyncadd.s32 $0xFFFFE000;
	s17 =	sor.u32 $0x40, s17  }
0x37: {  	s16 =	smul.u32 $0x8200, s16;
	v0 =	vld [tilespmem:s17+$0x30]  }
0x38: {  	v1 =	vld [tilespmem:s17+$0xFFFFFFD0]  }
0x39: {  	s16 =	sshrl.u32 s16, $0x2;
	v5 =	vld [tilespmem:s17+$0xFFFFFFE0]  }
0x3a: {  	v6 =	vld [tilespmem:s17+$0xFFFFFFF0];
	s19 =	sor.u32 $0x4000, s16  }
0x3b: {  	s31 =	sand.u32 $0x1, s13;
	v4 =	vld [tilespmem:s17+$0x0];
	s18 =	sadd.s32 $0x0, s19  }
0x3c: {  	v3 =	vld [tilespmem:s17+$0x10];
	s16 =	smul.u32 $0x8200, s31;
	[tilespmem:s18+$0x1C70 ss:$0x41] =	vst.msk $0xffff, v0  }
0x3d: {  	v2 =	vld [tilespmem:s17+$0x20];
	[tilespmem:s18+$0x410 ss:$0x41] =	vst.msk $0xffff, v1  }
0x3e: {  	s16 =	sshrl.u32 s16, $0x2;
	v1 =	vld [tilespmem:s17+$0xFFFFFFC0];
	[tilespmem:s18+$0x820 ss:$0x41] =	vst.msk $0xffff, v5;
	s17 =	sadd.s32 $0x80, s17  }
0x3f: {  	s20 =	simm.s32 $0x4;
	s21 =	simm.s32 $0x8;
	s16 =	sor.u32 $0x4000, s16;
	[tilespmem:s18+$0xC30 ss:$0x41] =	vst.msk $0xffff, v6;
	v0 =	vld [tilespmem:s17+$0x30]  }
.LBB1_3:
0x40: {  	p1 =	sne.s32 s21, $0xFC;
	v5 =	vld [tilespmem:s17+$0xFFFFFFD0];
	[tilespmem:s18+$0x1040 ss:$0x41] =	vst.msk $0xffff, v4  }
0x41: {  	v6 =	vld [tilespmem:s17+$0xFFFFFFE0];
	[tilespmem:s18+$0x1450 ss:$0x41] =	vst.msk $0xffff, v3  }
0x42: {  	s22 =	sshra.s32 s20, $0x2;
	s20 =	smov.u32 s21;
	v7 =	vld [tilespmem:s17+$0xFFFFFFF0];
	[tilespmem:s18+$0x1860 ss:$0x41] =	vst.msk $0xffff, v2  }
.Ltmp3:
0x43: {  	v4 =	vld [tilespmem:s17+$0x0];
	[tilespmem:s18+$0x0 ss:$0x41] =	vst.msk $0xffff, v1;
	s18 =	sadd.s32 s22, s19;
	(pc) =	sbr.rel @p1 .LBB1_3-.Ltmp3, $4  }
0x44: {  	v3 =	vld [tilespmem:s17+$0x10];
	[tilespmem:s18+$0x1C70 ss:$0x41] =	vst.msk $0xffff, v0  }
0x45: {  	[tilespmem:s18+$0x410 ss:$0x41] =	vst.msk $0xffff, v5;
	v2 =	vld [tilespmem:s17+$0x20]  }
0x46: {  	v1 =	vld [tilespmem:s17+$0xFFFFFFC0];
	[tilespmem:s18+$0x820 ss:$0x41] =	vst.msk $0xffff, v6;
	s17 =	sadd.s32 $0x80, s17  }
0x47: {  	s21 =	sadd.s32 $0x4, s21;
	v0 =	vld [tilespmem:s17+$0x30];
	[tilespmem:s18+$0xC30 ss:$0x41] =	vst.msk $0xffff, v7  }
0x48: {  	s21 =	sshll.u32 s9, $0x7;
	s22 =	sshll.u32 s10, $0x3;
	s20 =	sshra.s32 s20, $0x2  }
0x49: {  	p1 =	sgt.s32 s9, $0xF41C0;
	s30 =	sshra.s32 s9, $0x1F;
	s25 =	sshra.s32 s10, $0x1F  }
0x4a: {  	v5 =	vld [tilespmem:s17+$0xFFFFFFD0];
	s28 =	sshrl.u32 s10, $0x3;
	s23 =	sand.u32 $0xFFFFFC00, s21;
	s22 =	sand.u32 $0xFFFFFC00, s22  }
0x4b: {  	[tilespmem:s18+$0x1040 ss:$0x41] =	vst.msk $0xffff, v4;
	v58 =	vld [tilespmem:s17+$0xFFFFFFE0];
	s21 =	sand.u32 $0x380, s21;
	s19 =	sadd.s32 s20, s19;
	s22 =	sadd.s32 s22, s23  }
0x4c: {  	v59 =	vld [tilespmem:s17+$0xFFFFFFF0];
	[tilespmem:s18+$0x1450 ss:$0x41] =	vst.msk $0xffff, v3;
	s29 =	sor.u32 s21, s22;
	s21 =	smov.u32 s9;
	s22 =	sand.u32 s30, s9  }
0x4d: {  	v60 =	vld [tilespmem:s17+$0x0];
	[tilespmem:s18+$0x1860 ss:$0x41] =	vst.msk $0xffff, v2;
	s30 =	sand.u32 $0x7, s10;
	s20 =	sshrl.u32 s29, $0x7;
	s21 =	simm.s32 @!p1 $0xF41C0  }
0x4e: {  	v61 =	vld [tilespmem:s17+$0x10];
	[tilespmem:s18+$0x0 ss:$0x41] =	vst.msk $0xffff, v1;
	p1 =	sgt.s32 s10, $0x40;
	s24 =	ssub.s32 s21, s22;
	s21 =	smov.u32 s10  }
0x4f: {  	v62 =	vld [tilespmem:s17+$0x20];
	[tilespmem:s19+$0x1C70 ss:$0x41] =	vst.msk $0xffff, v0;
	s31 =	smulhi.u32 $0x218DEF5, s20;
	s22 =	sand.u32 s25, s10;
	s21 =	simm.s32 @!p1 $0x40  }
0x50: {  	v63 =	vld [tilespmem:s17+$0xFFFFFFC0];
	[tilespmem:s19+$0x410 ss:$0x41] =	vst.msk $0xffff, v5;
	s26 =	sadd.s32 $0xFFF0BE40, s24;
	s17 =	ssub.s32 $0xF4240, s24;
	s21 =	ssub.s32 s21, s22  }
0x51: {  	[tilespmem:s19+$0x820 ss:$0x41] =	vst.msk $0xffff, v58;
	s23 =	sshrl.u32 s31, $0xD;
	p1 =	sgt.s32 s26, $0x7F;
	s27 =	sadd.s32 $0xFFFFFFC0, s21  }
0x52: {  	[tilespmem:s19+$0xC30 ss:$0x41] =	vst.msk $0xffff, v59;
	s23 =	smul.u32 $0xF4240, s23;
	s18 =	ssub.s32 $0x80, s21;
	p2 =	sgt.s32 s27, $0x3F  }
.Ltmp4:
0x53: {  	[tilespmem:s19+$0x1040 ss:$0x41] =	vst.msk $0xffff, v60;
	s17 =	simm.s32 @p1 $0x0;
	s18 =	simm.s32 @p2 $0x0;
	(pc) =	sbr.rel .LBB1_5-.Ltmp4, $4  }
0x54: {  	s29 =	sand.u32 $0xF, s28;
	[tilespmem:s19+$0x1450 ss:$0x41] =	vst.msk $0xffff, v61;
	s20 =	ssub.s32 s20, s23;
	s17 =	smul.u32 s18, s17  }
0x55: {  	[tilespmem:s19+$0x1860 ss:$0x41] =	vst.msk $0xffff, v62;
	s21 =	sshll.u32 s30, $0x12;
	s20 =	sshll.u32 s20, $0x4;
	s18 =	sadd.s32 s5, s29  }
0x56: {  	[tilespmem:s19+$0x0 ss:$0x41] =	vst.msk $0xffff, v63;
	s31 =	sor.u32 $0x40, s21;
	s18 =	sadd.s32 s20, s18;
	s17 =	sand.u32 $0x3FFFFFFF, s17  }
0x57: {  	[hbm4b:s18+s31] =	stream.strided.scatter [tilespmem:s16], [sflag:$0x2], s17, s8, s31, $0x18;
	[tilespmem:$0x8100] =	vst v63  }
.LBB1_6:
0x58: {  	_ =	sfence.sel $0x180000  }
0x59: {  	s2 =	simm.s32 $0x1;
	[bflag:$0x0] =	sbarrier.arrive $0xFFFF  }
0x5a: {  	s31 =	simm.s32 $0x2;
	[sflag:s2] =	ssyncpa.u1 $0x1  }
0x5b: {  	[sflag:s31] =	ssyncpa.u1 $0x1  }
0x5c: {  	p0 =	sne.s32 s1, $0x0;
	_ =	strace $0x90000047  }
0x5d: {  	s0 =	sadd.s32 @!p0 $0x100000, s0;
	[bflag:$0x2] =	sbarrier.arrive $0xFFFF  }
0x5e: {  	[sflag:s0] =	ssyncadd.tile.s32 @!p0 $0x1;
	_ =	shalt  }
.Lfunc_end1:
_tile_overlayer_lowered:
.L_overlay_start_2:
0x5f: {  	(tag) =	ssettag $0x2  }
0x60: {  	s0 =	rddreg [dreg:$0x0];
	s2 =	stileid.u32  }
0x61: {  	s1 =	rddreg [dreg:$0x1];
	p0 =	sne.s32 s2, $0x0  }
0x62: {  	s3 =	rddreg [dreg:$0x2];
	[bflag:$0x3] =	sbarrier.arrive $0xFFFF;
	s2 =	simm.s32 @!p0 $0x1C01  }
0x63: {  	[timem:s3], [sflag:s2] =	dma.local @!p0 [hbm:s0], s1  }
0x64: {  	s0 =	simm.s32 @!p0 $0x1  }
0x65: {  	_ =	swait.ge @!p0 [sflag:s0], s1  }
0x66: {  	s1 =	ssub.s32 @!p0 $0x0, s1;
	[sflag:s0] =	ssyncset.done @!p0 $0x0  }
0x67: {  	[sflag:s0] =	ssyncadd.s32 @!p0 s1  }
0x68: {  	[bflag:$0x3] =	sbarrier.arrive $0xFFFF  }
0x69: {  	_ =	shalt  }

// kernel: sparse-core-data-format-call.cloned.1.call-start
scs
called_computation_lowered:
.L_overlay_start_0:
0x0: {  	s2 =	sld [smem:$0x3FD9]  }
0x1: {  	s3 =	sld [smem:$0x3FFE];
	_ =	sdelay $0x1  }
0x2: {  	s1 =	srdreg.scid  }
0x3: {  	s0 =	sand.u32 $0x1, s1  }
0x4: {  	s18 =	sshll.u32 s0, $0xA;
	s2 =	sadd.s32 s3, s2  }
0x5: {  	s2 =	sadd.s32 s2, s18  }
0x6: {  	[smem:$0x3FC6] =	sst s2  }
0x7: {  	_ = 	snop  }
0x8: {  	s2 =	sld [smem:$0x3FD0];
	(tm) =	ssettm $0x1  }
0x9: {  	s19 =	sld [smem:$0x3FFB];
	_ =	sdelay $0x3  }
0xa: {  	_ =	strace s19  }
0xb: {  	s3 =	sld [smem:$0x3FFC];
	_ =	sdelay $0x3  }
0xc: {  	_ =	strace s3  }
0xd: {  	s3 =	sld [smem:$0x3FFD];
	_ =	sdelay $0x3  }
0xe: {  	_ =	strace s3  }
0xf: {  	_ =	strace $0x8FFFFFFF  }
0x10: {  	s20 =	sld [smem:$0x3FDB];
	_ =	sdelay $0x1  }
0x11: {  	s4 =	simm.s32 $_scs_section_size  }
0x12: {  	s5 =	simm.s32 $_size__tile_overlayer_lowered;
	s6 =	simm.s32 $_tile_overlayer_lowered  }
0x13: {  	s23 =	simm.s32 $0x1BFF;
	s22 =	sshll.u32 s6, $0x1;
	s3 =	sadd.s32 s4, s20  }
0x14: {  	s7 =	simm.s32 $0x0;
	s21 =	sshll.u32 s5, $0x1;
	s5 =	sadd.s32 s22, s3  }
0x15: {  	[timem:s7], [sflag:s23] =	dma.local [hbm:s5], s21  }
0x16: {  	_ =	swait.ge [sflag:s23], s21  }
0x17: {  	s4 =	ssub.s32 $0x0, s21;
	[sflag:s23] =	ssyncset.done $0x0  }
0x18: {  	[sflag:s23] =	ssyncadd.s32 s4;
	_ =	sdelay $0x1  }
0x19: {  	s24 =	simm.s32 $0x1B8B  }
0x1a: {  	_ =	swait.ge [sflag:s24], $0x1  }
0x1b: {  	[sflag:s24] =	ssyncset.done $0x0  }
0x1c: {  	s26 =	simm.s32 $0x1B8E;
	s25 =	sld [smem:$0x3FFE];
	[sflag:s24] =	ssyncadd.s32 $0xFFFFFFFF  }
0x1d: {  	s27 =	simm.s32 $execute0_lowered;
	[smem:$0x3FD2] =	sst s26  }
0x1e: {  	s5 =	sshll.u32 s27, $0x1;
	_ =	strace $0x8000004C;
	[dreg:$0x1] =	wrdreg $0xFFFFFFFF  }
0x1f: {  	s28 =	simm.s32 $_size_execute0_lowered;
	s3 =	sadd.s32 s3, s5;
	[dreg:$0x0] =	wrdreg $0x0  }
0x20: {  	s5 =	sshll.u32 s28, $0x1;
	[dreg:$0x2] =	wrdreg s3  }
0x21: {  	[dreg:$0x3] =	wrdreg s5  }
0x22: {  	[dreg:$0x4] =	wrdreg $0xC0  }
0x23: {  	_ =	task [dreg:s7], $0x5FFFF  }
0x24: {  	[dreg:$0x1] =	wrdreg $0xFFFFFFFF  }
0x25: {  	[dreg:$0x0] =	wrdreg $0x60  }
0x26: {  	[dreg:$0x2] =	wrdreg s25  }
0x27: {  	[dreg:$0x3] =	wrdreg s2  }
0x28: {  	[dreg:$0x4] =	wrdreg $0x9  }
0x29: {  	_ =	task.clear_ibuf [dreg:s7], $0x5FFFF;
	_ =	strace $0x9000004C  }
0x2a: {  	s29 =	simm.s32 $0x9;
	_ =	strace $0x8000004E  }
0x2b: {  	_ =	swait.ge [sflag:s29], $0x1  }
0x2c: {  	[sflag:s29] =	ssyncadd.s32 $0xFFFFFFFF  }
0x2d: {  	_ =	strace $0x9000004E  }
0x2e: {  	_ =	sfence  }
0x2f: {  	s30 =	sld [smem:$0x0];
	_ =	sdelay $0x2  }
0x30: {  	s31 =	sshll.u32 s1, $0xD;
	s1 =	sshrl.u32 s1, $0x2  }
0x31: {  	s3 =	sand.u32 $0x4000, s31;
	s1 =	sadd.s32 s1, s30  }
0x32: {  	s0 =	sor.u32 s3, s0;
	s1 =	sshll.u32 s1, $0x11  }
0x33: {  	s0 =	sor.u32 s1, s0  }
0x34: {  	s0 =	sadd.s32 $0x8F2B, s0  }
0x35: {  	[sflag:s0] =	ssyncadd.remote.s32 $0x1  }
0x36: {  	_ =	sfence.sel $0xFFFF  }
0x37: {  	[dreg:$0x0] =	wrdreg $0xFFFFFFFF;
	(pc) =	sbr.abs _section_cstart, $3  }
0x38: {  	[dreg:$0x1] =	wrdreg $0xFFFFFFFF  }
0x39: {  	_ =	task.clear_ibuf [dreg:s7], $0x2FFFF;
	_ =	strace $0x9FFFFFFF  }
0x3a: {  	(tm) =	ssettm $0x7FFFFFFF  }
0x3b: {  	_ =	shalt  }
tec
execute0_lowered:
.L_overlay_start_1:
0x0: {  	(tag) =	ssettag $0x1  }
0x1: {  	s0 =	srdreg.scid  }
0x2: {  	s1 =	sshll.u32 s0, $0x4  }
0x3: {  	s0 =	stileid.u32;
	s1 =	sand.u32 $0x10, s1  }
0x4: {  	s1 =	sor.u32 s0, s1  }
0x5: {  	s6 =	rddreg [dreg:$0x0];
	s4 =	simm.s32 $0x1;
	s2 =	sshll.u32 s1, $0x7  }
0x6: {  	s7 =	simm.s32 $0x2;
	s12 =	simm.s32 $0x0;
	s1 =	ssub.s32 $0x4000, s2  }
0x7: {  	s8 =	simm.s32 $0x20000;
	s13 =	simm.s32 $0x0;
	s3 =	sand.u32 $0xF80, s1  }
0x8: {  	s9 =	simm.s32 $0x0;
	s5 =	sshrl.u32 s1, $0xC;
	p0 =	sne.s32 s3, $0x0  }
.Ltmp0:
0x9: {  	s1 =	rddreg [dreg:$0x2];
	s4 =	simm.s32 @!p0 $0x0;
	(pc) =	sbr.rel .LBB1_1-.Ltmp0, $4  }
0xa: {  	s11 =	simm.s32 $0x0;
	s3 =	rddreg [dreg:$0x1];
	s5 =	sadd.s32 s4, s5  }
0xb: {  	_ =	strace $0x8000004D;
	s4 =	simm.s32 $0x1;
	s5 =	smul.u32 $0x32, s5  }
0xc: {  	s6 =	sadd.s32 $0xE00, s6;
	s10 =	smov.u32 s2;
	[sflag:s4] =	ssyncpa.u1 $0x0  }
0xd: {  	p0 =	por $0x0, $0x0;
	[sflag:s7] =	ssyncpa.u1 $0x0;
	s7 =	sor.u32 $0x1, s5  }
.LBB1_4:
0xe: {  	s16 =	sshll.u32 s13, $0x3;
	s17 =	sand.u32 $0x78, s13  }
0xf: {  	s30 =	sand.u32 $0x1F800, s13;
	s12 =	sshll.u32 s12, $0x11;
	s16 =	sand.u32 $0x3C00, s16  }
0x10: {  	[tilespmem:s15+$0x810 ss:$0x81] =	vst.msk $0xffff, v2;
	s31 =	sand.u32 $0x7, s13;
	s16 =	sor.u32 s17, s16;
	s17 =	sadd.s32 s3, s30  }
0x11: {  	[tilespmem:s15+$0x1020 ss:$0x81] =	vst.msk $0xffff, v0;
	s13 =	sshll.u32 s31, $0x12;
	s12 =	sadd.s32 s12, s17;
	s16 =	sshrl.u32 s16, $0x3  }
0x12: {  	[tilespmem:s15+$0x0 ss:$0x81] =	vst.msk $0xffff, v1;
	s13 =	sor.u32 $0x400, s13;
	s12 =	sadd.s32 s16, s12  }
0x13: {  	[hbm4b:s12+s13] =	stream.strided.scatter [tilespmem:s14], [sflag:$0x2], $0x2000, s8, s13, $0x20;
	[tilespmem:$0x8080] =	vst v63  }
.LBB1_5:
0x14: {  	s14 =	sadd.s32 $0x1, s9  }
0x15: {  	s12 =	sadd.s32 $0x1000, s10;
	s16 =	smov.u32 s10;
	p2 =	sgt.s32 s14, $0x31  }
0x16: {  	s16 =	smov.u32 @p2 s12  }
0x17: {  	s14 =	simm.s32 @p2 $0x0;
	p2 =	sgt.s32 s16, $0x3FFF  }
0x18: {  	s16 =	smov.u32 @p2 s2;
	p2 =	sne.s32 s11, s7  }
.Ltmp1:
0x19: {  	p1 =	slt.u32 s11, $0x2;
	(pc) =	sbr.rel @!p2 .LBB1_6-.Ltmp1, $4  }
0x1a: {  	s15 =	simm.s32 @!p1 $0x2  }
0x1b: {  	s13 =	smov.u32 s10;
	p0 =	por !p0, !p0;
	_ =	swait.ge @!p1 [sflag:s15], $0x2000  }
0x1c: {  	s12 =	smov.u32 s9;
	[sflag:s15] =	ssyncset.done @!p1 $0x0;
	s9 =	smov.u32 s14  }
0x1d: {  	s11 =	sadd.s32 $0x1, s11;
	[sflag:s15] =	ssyncadd.s32 @!p1 $0xFFFFE000;
	s10 =	smov.u32 s16  }
.LBB1_1:
0x1e: {  	p1 =	sge.u32 s11, s5  }
0x1f: {  	s14 =	sand.u32 @!p1 $0x1FFFFFF, s9  }
0x20: {  	s15 =	smulhi.u32 @!p1 $0x4924925, s14;
	_ =	sdelay $0x1  }
0x21: {  	s15 =	smul.u32 @!p1 $0x38, s15  }
0x22: {  	s16 =	sxor.u32 @!p1 $0xFFFFFFFF, s11;
	s17 =	smul.u32 @!p1 $0x380, s10  }
0x23: {  	s31 =	sadd.s32 $0xFFFFFFFF, s11;
	s16 =	sshll.u32 @!p1 s16, $0xD;
	s14 =	ssub.s32 @!p1 s14, s15  }
0x24: {  	s15 =	sand.u32 @!p1 $0x2000, s16;
	s16 =	sadd.s32 @!p1 s6, s17;
	s14 =	sshll.u32 @!p1 s14, $0x4  }
0x25: {  	s17 =	simm.s32 @!p1 $0x1C00;
	s14 =	sadd.s32 @!p1 s14, s16;
	s16 =	simm.s32 @!p1 $0x40  }
0x26: {  	[tilespmem:s15], [sflag:$0x1] =	stream.strided.gather @!p1 [hbm4b:s14+s16], $0x2000, s17, s16, $0x38;
	[tilespmem:$0x8080] =	vst v63  }
0x27: {  	p1 =	sge.u32 s31, s5  }
.Ltmp2:
0x28: {  	_ = 	snop;
	(pc) =	sbr.rel @p1 .LBB1_5-.Ltmp2, $1  }
0x29: {  	_ =	sdelay $0x3  }
0x2a: {  	s14 =	simm.s32 $0x1  }
0x2b: {  	_ =	swait.ge [sflag:s4], $0x2000;
	s14 =	simm.s32 @!p0 $0x0  }
0x2c: {  	[sflag:s4] =	ssyncset.done $0x0;
	s15 =	sshll.u32 s14, $0xD  }
0x2d: {  	[sflag:s4] =	ssyncadd.s32 $0xFFFFE000;
	s18 =	sor.u32 $0x20, s15  }
0x2e: {  	s14 =	smul.u32 $0x8100, s14;
	v3 =	vld [tilespmem:s18+$0x10]  }
0x2f: {  	s30 =	sand.u32 $0x1, s11;
	v2 =	vld [tilespmem:s18+$0xFFFFFFF0]  }
0x30: {  	s15 =	smul.u32 $0x8100, s30;
	s14 =	sshrl.u32 s14, $0x2;
	v0 =	vld [tilespmem:s18+$0x0]  }
0x31: {  	v1 =	vld [tilespmem:s18+$0xFFFFFFE0];
	s16 =	sor.u32 $0x4000, s14  }
0x32: {  	s31 =	sshrl.u32 s15, $0x2;
	s15 =	sadd.s32 $0x0, s16  }
0x33: {  	s17 =	simm.s32 $0x4;
	s18 =	sadd.s32 $0x40, s18;
	s14 =	sor.u32 $0x4000, s31;
	[tilespmem:s15+$0x1830 ss:$0x81] =	vst.msk $0xffff, v3  }
.LBB1_3:
0x34: {  	v3 =	vld [tilespmem:s18+$0x10];
	p1 =	sne.s32 s17, $0x1FC;
	[tilespmem:s15+$0x810 ss:$0x81] =	vst.msk $0xffff, v2;
	s19 =	smov.u32 s17;
	s17 =	sadd.s32 $0x4, s17  }
.Ltmp3:
0x35: {  	v2 =	vld [tilespmem:s18+$0xFFFFFFF0];
	[tilespmem:s15+$0x1020 ss:$0x81] =	vst.msk $0xffff, v0;
	(pc) =	sbr.rel @p1 .LBB1_3-.Ltmp3, $4  }
0x36: {  	v0 =	vld [tilespmem:s18+$0x0];
	[tilespmem:s15+$0x0 ss:$0x81] =	vst.msk $0xffff, v1  }
0x37: {  	s15 =	sshra.s32 s19, $0x2;
	v1 =	vld [tilespmem:s18+$0xFFFFFFE0]  }
0x38: {  	s15 =	sadd.s32 s15, s16  }
0x39: {  	s18 =	sadd.s32 $0x40, s18;
	[tilespmem:s15+$0x1830 ss:$0x81] =	vst.msk $0xffff, v3  }
.Ltmp4:
0x3a: {  	_ = 	snop;
	(pc) =	sbr.rel .LBB1_4-.Ltmp4, $1  }
0x3b: {  	_ =	sdelay $0x3  }
.LBB1_6:
0x3c: {  	_ =	sfence.sel $0x180000  }
0x3d: {  	s2 =	simm.s32 $0x1;
	[bflag:$0x0] =	sbarrier.arrive $0xFFFF  }
0x3e: {  	s31 =	simm.s32 $0x2;
	[sflag:s2] =	ssyncpa.u1 $0x1  }
0x3f: {  	[sflag:s31] =	ssyncpa.u1 $0x1  }
0x40: {  	p0 =	sne.s32 s0, $0x0;
	_ =	strace $0x9000004D  }
0x41: {  	s0 =	sadd.s32 @!p0 $0x100000, s1;
	[bflag:$0x2] =	sbarrier.arrive $0xFFFF  }
0x42: {  	[sflag:s0] =	ssyncadd.tile.s32 @!p0 $0x1;
	_ =	shalt  }
.Lfunc_end1:
_tile_overlayer_lowered:
.L_overlay_start_2:
0x43: {  	(tag) =	ssettag $0x2  }
0x44: {  	s0 =	rddreg [dreg:$0x0];
	s2 =	stileid.u32  }
0x45: {  	s1 =	rddreg [dreg:$0x1];
	p0 =	sne.s32 s2, $0x0  }
0x46: {  	s3 =	rddreg [dreg:$0x2];
	[bflag:$0x3] =	sbarrier.arrive $0xFFFF;
	s2 =	simm.s32 @!p0 $0x1C01  }
0x47: {  	[timem:s3], [sflag:s2] =	dma.local @!p0 [hbm:s0], s1  }
0x48: {  	s0 =	simm.s32 @!p0 $0x1  }
0x49: {  	_ =	swait.ge @!p0 [sflag:s0], s1  }
0x4a: {  	s1 =	ssub.s32 @!p0 $0x0, s1;
	[sflag:s0] =	ssyncset.done @!p0 $0x0  }
0x4b: {  	[sflag:s0] =	ssyncadd.s32 @!p0 s1  }
0x4c: {  	[bflag:$0x3] =	sbarrier.arrive $0xFFFF  }
0x4d: {  	_ =	shalt  }

</sc_bundles>
